<compile_context>
chip_gen: v7x
topology: tpu7x:2x2x1
jax: 0.10.2.dev20260603
libtpu: 0.0.44.dev20260713+nightly
codegen_flags: <defaults>
</compile_context>

<pallas_src>
from math import comb

import jax
import jax.numpy as jnp
from jax import lax
from jax.experimental import pallas as pl
from jax.experimental.pallas import tpu as pltpu
from jax.experimental.pallas import tpu_sc as plsc

NUM_CORES = 2
NUM_SUBCORES = 16
LANES = 16
LUT_N = 512
GROUP = 4
QROWS = 128
SROWS = 64
NSEC = QROWS // SROWS
VPI = 2
UNROLL = 8


def _build_lut(control_points, u, dtype):
    t = jnp.linspace(-1.0, 1.0, LUT_N, dtype=dtype)
    cpy = control_points[:, 1]
    n = control_points.shape[0] - 1
    bern = jnp.stack(
        [comb(n, k) * t**k * (1.0 - t) ** (n - k) for k in range(n + 1)], axis=0
    )
    fp = jnp.clip(cpy @ bern, -1.0, 1.0)
    slope = (fp[1:] - fp[:-1]) / (t[1:] - t[:-1])
    a_seg = fp[:-1] - slope * t[:-1]
    a = jnp.concatenate([a_seg[:1], a_seg])
    b = jnp.concatenate([slope[:1], slope])
    sign = jnp.where(u[0] > 0.5, 1.0, -1.0).astype(dtype)
    return jnp.repeat(a * sign, LANES), jnp.repeat(b * sign, LANES)


def _sc_body(
    img_hbm, a_hbm, b_hbm, out_hbm,
    qbuf, abuf, bbuf, mmstage, gbuf, shared, isems, osems,
):
    n_imgs, _, height, width = img_hbm.shape
    imgs_per_core = n_imgs // NUM_CORES
    n_rounds = imgs_per_core // GROUP
    sec_px = SROWS * width

    cid = lax.axis_index("c")
    sid = lax.axis_index("s")
    grp = sid // GROUP
    mem = sid % GROUP
    row_base = mem * QROWS
    img_base = cid * imgs_per_core + grp

    pltpu.sync_copy(a_hbm, abuf)
    pltpu.sync_copy(b_hbm, bbuf)

    lane = lax.iota(jnp.int32, LANES)

    def interp(x):
        idx = jnp.clip((x * 255.5 + 256.5).astype(jnp.int32), 1, LUT_N - 1)
        cidx = lax.shift_left(idx, 4) + lane
        av = plsc.load_gather(abuf, [cidx])
        bv = plsc.load_gather(bbuf, [cidx])
        return av + bv * x

    def start_in(img, c):
        pltpu.async_copy(
            img_hbm.at[img, 0, pl.ds(row_base + c * SROWS, SROWS)],
            qbuf.at[pl.ds(c * SROWS, SROWS)],
            isems.at[c],
        )

    def wait_in(c):
        pltpu.make_async_copy(
            img_hbm.at[0, 0, pl.ds(0, SROWS)],
            qbuf.at[pl.ds(c * SROWS, SROWS)],
            isems.at[c],
        ).wait()

    def start_out(img, c):
        pltpu.async_copy(
            qbuf.at[pl.ds(c * SROWS, SROWS)],
            out_hbm.at[img, 0, pl.ds(row_base + c * SROWS, SROWS)],
            osems.at[c],
        )

    def wait_out(c):
        pltpu.make_async_copy(
            qbuf.at[pl.ds(c * SROWS, SROWS)],
            out_hbm.at[0, 0, pl.ds(0, SROWS)],
            osems.at[c],
        ).wait()

    def round_body(r, carry):
        img = img_base + r * GROUP

        @pl.when(r > 0)
        def _():
            wait_out(0)

        start_in(img, 0)

        acc = (
            jnp.full((LANES,), jnp.inf, jnp.float32),
            jnp.full((LANES,), -jnp.inf, jnp.float32),
        ) * VPI
        for c in range(NSEC):
            if c + 1 < NSEC:
                @pl.when(r > 0)
                def _():
                    wait_out(c + 1)

                start_in(img, c + 1)
            wait_in(c)
            row0 = c * SROWS

            def stepa(i, carry_a):
                row = row0 + lax.shift_right_logical(i, 9)
                col = lax.bitwise_and(i, width - 1)
                out = []
                for k in range(VPI):
                    cmn, cmx = carry_a[2 * k], carry_a[2 * k + 1]
                    x = qbuf[row, pl.ds(col + k * LANES, LANES)]
                    v = interp(x)
                    qbuf[row, pl.ds(col + k * LANES, LANES)] = v
                    out += [jnp.minimum(cmn, v), jnp.maximum(cmx, v)]
                return tuple(out)

            acc = plsc.parallel_loop(
                0, sec_px, VPI * LANES, unroll=UNROLL, carry=acc
            )(stepa)

        mn, mx = acc[0], acc[1]
        for k in range(1, VPI):
            mn = jnp.minimum(mn, acc[2 * k])
            mx = jnp.maximum(mx, acc[2 * k + 1])

        mmstage[pl.ds(0, LANES)] = mn
        mmstage[pl.ds(LANES, LANES)] = mx
        pltpu.sync_copy(mmstage, shared.at[sid])
        plsc.subcore_barrier()
        pltpu.sync_copy(shared, gbuf)
        gmn = gbuf[grp * GROUP, pl.ds(0, LANES)]
        gmx = gbuf[grp * GROUP, pl.ds(LANES, LANES)]
        for j in range(1, GROUP):
            gmn = jnp.minimum(gmn, gbuf[grp * GROUP + j, pl.ds(0, LANES)])
            gmx = jnp.maximum(gmx, gbuf[grp * GROUP + j, pl.ds(LANES, LANES)])
        plsc.subcore_barrier()

        mnv = jnp.full((LANES,), jnp.min(gmn), jnp.float32)
        mxv = jnp.full((LANES,), jnp.max(gmx), jnp.float32)
        scv = 2.0 / (mxv - mnv)
        ofv = -mnv * scv - 1.0

        for c in range(NSEC):
            row0 = c * SROWS

            def stepb(i, carry_b):
                row = row0 + lax.shift_right_logical(i, 9)
                col = lax.bitwise_and(i, width - 1)
                for k in range(VPI):
                    v = qbuf[row, pl.ds(col + k * LANES, LANES)]
                    qbuf[row, pl.ds(col + k * LANES, LANES)] = v * scv + ofv
                return carry_b

            plsc.parallel_loop(
                0, sec_px, VPI * LANES, unroll=UNROLL, carry=jnp.int32(0)
            )(stepb)
            start_out(img, c)
        return carry

    lax.fori_loop(0, n_rounds, round_body, jnp.int32(0))
    for c in range(NSEC):
        wait_out(c)


def kernel(image, control_points, u):
    a_lut, b_lut = _build_lut(control_points, u, image.dtype)

    mesh = plsc.VectorSubcoreMesh(
        core_axis_name="c",
        subcore_axis_name="s",
        num_cores=NUM_CORES,
        num_subcores=NUM_SUBCORES,
    )
    return pl.kernel(
        _sc_body,
        out_type=jax.ShapeDtypeStruct(image.shape, jnp.float32),
        mesh=mesh,
        compiler_params=pltpu.CompilerParams(needs_layout_passes=False),
        scratch_types=[
            pltpu.VMEM((QROWS, 512), jnp.float32),
            pltpu.VMEM((LUT_N * LANES,), jnp.float32),
            pltpu.VMEM((LUT_N * LANES,), jnp.float32),
            pltpu.VMEM((128,), jnp.float32),
            pltpu.VMEM((NUM_SUBCORES, 128), jnp.float32),
            pltpu.VMEM_SHARED((NUM_SUBCORES, 128), jnp.float32),
            pltpu.SemaphoreType.DMA((NSEC,)),
            pltpu.SemaphoreType.DMA((NSEC,)),
        ],
    )(image, a_lut, b_lut)

# --- scband reference (transcript-rebuilt; emitter-appended) ---
"""Pipeline reference for scband-stochastic-non-linear-intensity-transformation-66752381714444 (READ-ONLY COPY).

The authoritative reference and input builder live on the scoring server;
editing this copy changes nothing except your own understanding.
"""

import jax, jax.numpy as jnp
import numpy as np
from math import comb

DELTA = 0.5


def _bezier_curve(control_points, t):
    n = control_points.shape[0] - 1
    # bernstein_poly[k, s] = C(n,k) * t[s]**k * (1-t[s])**(n-k)
    # use python-int exponents so negative t values are handled via integer_pow
    bern = jnp.stack([comb(n, k) * t ** k * (1.0 - t) ** (n - k) for k in range(n + 1)], axis=0)
    curve = (control_points[:, 1].reshape(1, -1) @ bern).squeeze()
    return curve


def _linear_interpolate(x, xp, fp):
    idx = jnp.searchsorted(xp, x)
    idx = jnp.clip(idx, 1, xp.shape[0] - 1)
    x0 = xp[idx - 1]
    x1 = xp[idx]
    y0 = fp[idx - 1]
    y1 = fp[idx]
    slope = (y1 - y0) / (x1 - x0)
    return y0 + slope * (x - x0)


def _normalize(image):
    b = image.shape[0]
    flat = image.reshape(b, -1)
    min_val = flat.min(axis=1).reshape(-1, 1, 1, 1)
    max_val = flat.max(axis=1).reshape(-1, 1, 1, 1)
    return 2.0 * (image - min_val) / (max_val - min_val) - 1.0


def setup_inputs(seed: int = 0) -> dict:
    key = jax.random.key(seed)
    k1, k2, k3 = jax.random.split(key, 3)
    image = jax.random.normal(k1, (64, 1, 512, 512), dtype=jnp.float32)
    control_points = jax.random.uniform(k2, (4, 2), dtype=jnp.float32)
    u = jax.random.uniform(k3, (1,), dtype=jnp.float32)
    return {"image": image, "control_points": control_points, "u": u}


def reference(image, control_points, u):
    batch_size, channels, width, height = image.shape
    assert channels == 1
    cp = control_points.at[:, 0].set(jnp.sort(control_points[:, 0]))
    t = jnp.linspace(-1.0, 1.0, 512, dtype=image.dtype)
    bezier_map = jnp.clip(_bezier_curve(cp, t), -1.0, 1.0)
    flattened = image.reshape(batch_size, -1)
    interp_vals = _linear_interpolate(flattened, t, bezier_map).reshape(image.shape)
    transformed = jnp.where(u[0] > DELTA, interp_vals, 1.0 - interp_vals)
    return _normalize(transformed)

if __name__ == "__main__":
    import jax
    _d = setup_inputs()
    print(jax.jit(kernel)(*tuple(_d.values())))

</pallas_src>

<mosaic_0001>
#map = affine_map<(d0, d1) -> (0, 0, 0, 0)>
#map1 = affine_map<(d0, d1) -> (0)>
module attributes {stable_mosaic.version = 14 : i64} {
  func.func @_sc_body(%arg0: i32, %arg1: i32, %arg2: memref<64x1x512x512xf32, #tpu.memory_space<hbm>>, %arg3: memref<8192xf32, #tpu.memory_space<hbm>>, %arg4: memref<8192xf32, #tpu.memory_space<hbm>>, %arg5: memref<64x1x512x512xf32, #tpu.memory_space<hbm>>, %arg6: memref<128x512xf32, #tpu.memory_space<vmem>>, %arg7: memref<8192xf32, #tpu.memory_space<vmem>>, %arg8: memref<8192xf32, #tpu.memory_space<vmem>>, %arg9: memref<128xf32, #tpu.memory_space<vmem>>, %arg10: memref<16x128xf32, #tpu.memory_space<vmem>>, %arg11: memref<16x128xf32, #tpu.memory_space<vmem_shared>>, %arg12: memref<2x!tpu.dma_semaphore, #tpu.memory_space<semaphore_mem>>, %arg13: memref<2x!tpu.dma_semaphore, #tpu.memory_space<semaphore_mem>>) attributes {dimension_semantics = [#tpu.dimension_semantics<core_parallel>, #tpu.dimension_semantics<subcore_parallel>], iteration_bounds = array<i64: 2, 16>, scalar_prefetch = 0 : i64, scratch_operands = 8 : i64, tpu.core_type = #tpu.core_type<sc_vector_subcore>, window_params = [{transform_indices = #map}, {transform_indices = #map1}, {transform_indices = #map1}, {transform_indices = #map}]} {
    %jit3A = arith.constant 4 : i32
    %div3A = arith.divsi %arg1, %jit3A : i32
    %sign3A = arith.constant 0 : i32
    %sign3A_0 = arith.cmpi sgt, %arg1, %sign3A : i32
    %sign3A_1 = arith.extui %sign3A_0 : i1 to i32
    %sign3A_2 = arith.constant 0 : i32
    %sign3A_3 = arith.cmpi slt, %arg1, %sign3A_2 : i32
    %sign3A_4 = arith.extui %sign3A_3 : i1 to i32
    %sign3A_5 = arith.subi %sign3A_1, %sign3A_4 : i32
    %sign3A_6 = arith.constant 0 : i32
    %sign3A_7 = arith.cmpi sgt, %jit3A, %sign3A_6 : i32
    %sign3A_8 = arith.extui %sign3A_7 : i1 to i32
    %sign3A_9 = arith.constant 0 : i32
    %sign3A_10 = arith.cmpi slt, %jit3A, %sign3A_9 : i32
    %sign3A_11 = arith.extui %sign3A_10 : i1 to i32
    %sign3A_12 = arith.subi %sign3A_8, %sign3A_11 : i32
    %ne3A = arith.cmpi ne, %sign3A_5, %sign3A_12 : i32
    %rem3A = arith.remsi %arg1, %jit3A : i32
    %ne3A_13 = arith.constant 0 : i32
    %ne3A_14 = arith.cmpi ne, %rem3A, %ne3A_13 : i32
    %and3A = arith.andi %ne3A, %ne3A_14 : i1
    %sub3A = arith.constant 1 : i32
    %sub3A_15 = arith.subi %div3A, %sub3A : i32
    %select_n3A = arith.select %and3A, %sub3A_15, %div3A : i32
    %jit3A_16 = arith.constant 4 : i32
    %eq3A = arith.constant 0 : i32
    %eq3A_17 = arith.cmpi eq, %jit3A_16, %eq3A : i32
    %jit3A_18 = arith.constant 1 : i32
    %select_n3A_19 = arith.select %eq3A_17, %jit3A_18, %jit3A_16 : i32
    %rem3A_20 = arith.remsi %arg1, %select_n3A_19 : i32
    %ne3A_21 = arith.constant 0 : i32
    %ne3A_22 = arith.cmpi ne, %rem3A_20, %ne3A_21 : i32
    %lt3A = arith.constant 0 : i32
    %lt3A_23 = arith.cmpi slt, %rem3A_20, %lt3A : i32
    %lt3A_24 = arith.constant 0 : i32
    %lt3A_25 = arith.cmpi slt, %select_n3A_19, %lt3A_24 : i32
    %ne3A_26 = arith.xori %lt3A_23, %lt3A_25 : i1
    %and3A_27 = arith.andi %ne3A_26, %ne3A_22 : i1
    %add3A = arith.addi %rem3A_20, %select_n3A_19 : i32
    %select_n3A_28 = arith.select %and3A_27, %add3A, %rem3A_20 : i32
    %mul3A = arith.constant 128 : i32
    %mul3A_29 = arith.muli %select_n3A_28, %mul3A : i32
    %mul3A_30 = arith.constant 32 : i32
    %mul3A_31 = arith.muli %arg0, %mul3A_30 : i32
    %add3A_32 = arith.addi %mul3A_31, %select_n3A : i32
    "tpu.region"() ({
      %run_scoped3A = tpu.sem_alloc : memref<!tpu.dma_semaphore, #tpu.memory_space<semaphore_mem>>
      tpu.enqueue_dma source(%arg3 : memref<8192xf32, #tpu.memory_space<hbm>>) target(%arg7 : memref<8192xf32, #tpu.memory_space<vmem>>) target_semaphore(%run_scoped3A : memref<!tpu.dma_semaphore, #tpu.memory_space<semaphore_mem>>)
      tpu.wait_dma2 semaphore(%run_scoped3A : memref<!tpu.dma_semaphore, #tpu.memory_space<semaphore_mem>>) src(%arg3 : memref<8192xf32, #tpu.memory_space<hbm>>) dst(%arg7 : memref<8192xf32, #tpu.memory_space<vmem>>)
      tpu.yield
    }) : () -> ()
    "tpu.region"() ({
      %run_scoped3A = tpu.sem_alloc : memref<!tpu.dma_semaphore, #tpu.memory_space<semaphore_mem>>
      tpu.enqueue_dma source(%arg4 : memref<8192xf32, #tpu.memory_space<hbm>>) target(%arg8 : memref<8192xf32, #tpu.memory_space<vmem>>) target_semaphore(%run_scoped3A : memref<!tpu.dma_semaphore, #tpu.memory_space<semaphore_mem>>)
      tpu.wait_dma2 semaphore(%run_scoped3A : memref<!tpu.dma_semaphore, #tpu.memory_space<semaphore_mem>>) src(%arg4 : memref<8192xf32, #tpu.memory_space<hbm>>) dst(%arg8 : memref<8192xf32, #tpu.memory_space<vmem>>)
      tpu.yield
    }) : () -> ()
    %iota3A = tpu.iota {dimensions = array<i32: 0>} : vector<16xi32>
    %scan3A = arith.constant 0 : i32
    %scan3A_33 = arith.constant 0 : i32
    %scan3A_34 = arith.constant 8 : i32
    %scan3A_35 = arith.addi %scan3A_33, %scan3A_34 : i32
    %scan3A_36 = arith.constant 1 : i32
    scf.for %scan3A_75 = %scan3A_33 to %scan3A_35 step %scan3A_36  : i32 {
      %mul3A_76 = arith.constant 4 : i32
      %mul3A_77 = arith.muli %scan3A_75, %mul3A_76 : i32
      %add3A_78 = arith.addi %add3A_32, %mul3A_77 : i32
      %gt3A = arith.constant 0 : i32
      %gt3A_79 = arith.cmpi sgt, %scan3A_75, %gt3A : i32
      %convert_element_type3A = arith.extui %gt3A_79 : i1 to i32
      %cond3A = arith.constant 0 : i32
      %cond3A_80 = arith.cmpi ne, %convert_element_type3A, %cond3A : i32
      scf.if %cond3A_80 {
        %dma_wait3A_294 = arith.constant 0 : i32
        %dma_wait3A_295 = arith.constant 0 : i32
        %dma_wait3A_296 = arith.constant 0 : i32
        %dma_wait3A_297 = arith.constant 0 : i32
        %dma_wait3A_298 = arith.constant 0 : i32
        %dma_wait3A_299 = tpu.memref_slice %arg6[%dma_wait3A_297, %dma_wait3A_298] : memref<128x512xf32, #tpu.memory_space<vmem>> -> memref<64x512xf32, #tpu.memory_space<vmem>>
        %dma_wait3A_300 = arith.constant 0 : i32
        %dma_wait3A_301 = arith.constant 0 : i32
        %dma_wait3A_302 = tpu.memref_slice %arg5[%dma_wait3A_294, %dma_wait3A_295, %dma_wait3A_300, %dma_wait3A_301] : memref<64x1x512x512xf32, #tpu.memory_space<hbm>> -> memref<1x1x64x512xf32, #tpu.memory_space<hbm>>
        %dma_wait3A_303 = tpu.memref_squeeze %dma_wait3A_302 : memref<1x1x64x512xf32, #tpu.memory_space<hbm>> -> memref<64x512xf32, #tpu.memory_space<hbm>>
        %dma_wait3A_304 = tpu.memref_slice %arg13[%dma_wait3A_296] : memref<2x!tpu.dma_semaphore, #tpu.memory_space<semaphore_mem>> -> memref<1x!tpu.dma_semaphore, #tpu.memory_space<semaphore_mem>>
        %dma_wait3A_305 = tpu.memref_squeeze %dma_wait3A_304 : memref<1x!tpu.dma_semaphore, #tpu.memory_space<semaphore_mem>> -> memref<!tpu.dma_semaphore, #tpu.memory_space<semaphore_mem>>
        %dma_wait3A_306 = arith.constant 0 : i32
        %dma_wait3A_307 = arith.constant 0 : i32
        %dma_wait3A_308 = tpu.memref_slice %arg5[%dma_wait3A_294, %dma_wait3A_295, %dma_wait3A_306, %dma_wait3A_307] : memref<64x1x512x512xf32, #tpu.memory_space<hbm>> -> memref<1x1x64x512xf32, #tpu.memory_space<hbm>>
        %dma_wait3A_309 = tpu.memref_squeeze %dma_wait3A_308 : memref<1x1x64x512xf32, #tpu.memory_space<hbm>> -> memref<64x512xf32, #tpu.memory_space<hbm>>
        %dma_wait3A_310 = arith.constant 0 : i32
        %dma_wait3A_311 = arith.constant 0 : i32
        %dma_wait3A_312 = tpu.memref_slice %arg6[%dma_wait3A_310, %dma_wait3A_311] : memref<128x512xf32, #tpu.memory_space<vmem>> -> memref<64x512xf32, #tpu.memory_space<vmem>>
        tpu.wait_dma2 semaphore(%dma_wait3A_305 : memref<!tpu.dma_semaphore, #tpu.memory_space<semaphore_mem>>) src(%dma_wait3A_312 : memref<64x512xf32, #tpu.memory_space<vmem>>) dst(%dma_wait3A_309 : memref<64x512xf32, #tpu.memory_space<hbm>>)
      } else {
      }
      %add3A_81 = arith.constant 0 : i32
      %add3A_82 = arith.addi %mul3A_29, %add3A_81 : i32
      %dma_start3A = arith.constant 0 : i32
      %dma_start3A_83 = arith.constant 0 : i32
      %dma_start3A_84 = arith.constant 0 : i32
      %dma_start3A_85 = arith.constant 0 : i32
      %dma_start3A_86 = tpu.memref_slice %arg6[%dma_start3A_84, %dma_start3A_85] : memref<128x512xf32, #tpu.memory_space<vmem>> -> memref<64x512xf32, #tpu.memory_space<vmem>>
      %dma_start3A_87 = arith.constant 0 : i32
      %dma_start3A_88 = tpu.memref_slice %arg2[%add3A_78, %dma_start3A, %add3A_82, %dma_start3A_87] : memref<64x1x512x512xf32, #tpu.memory_space<hbm>> -> memref<1x1x64x512xf32, #tpu.memory_space<hbm>>
      %dma_start3A_89 = tpu.memref_squeeze %dma_start3A_88 : memref<1x1x64x512xf32, #tpu.memory_space<hbm>> -> memref<64x512xf32, #tpu.memory_space<hbm>>
      %dma_start3A_90 = tpu.memref_slice %arg12[%dma_start3A_83] : memref<2x!tpu.dma_semaphore, #tpu.memory_space<semaphore_mem>> -> memref<1x!tpu.dma_semaphore, #tpu.memory_space<semaphore_mem>>
      %dma_start3A_91 = tpu.memref_squeeze %dma_start3A_90 : memref<1x!tpu.dma_semaphore, #tpu.memory_space<semaphore_mem>> -> memref<!tpu.dma_semaphore, #tpu.memory_space<semaphore_mem>>
      %dma_start3A_92 = arith.constant 0 : i32
      %dma_start3A_93 = arith.constant 0 : i32
      %dma_start3A_94 = tpu.memref_slice %arg6[%dma_start3A_92, %dma_start3A_93] : memref<128x512xf32, #tpu.memory_space<vmem>> -> memref<64x512xf32, #tpu.memory_space<vmem>>
      %dma_start3A_95 = arith.constant 0 : i32
      %dma_start3A_96 = tpu.memref_slice %arg2[%add3A_78, %dma_start3A, %add3A_82, %dma_start3A_95] : memref<64x1x512x512xf32, #tpu.memory_space<hbm>> -> memref<1x1x64x512xf32, #tpu.memory_space<hbm>>
      %dma_start3A_97 = tpu.memref_squeeze %dma_start3A_96 : memref<1x1x64x512xf32, #tpu.memory_space<hbm>> -> memref<64x512xf32, #tpu.memory_space<hbm>>
      tpu.enqueue_dma source(%dma_start3A_97 : memref<64x512xf32, #tpu.memory_space<hbm>>) target(%dma_start3A_94 : memref<64x512xf32, #tpu.memory_space<vmem>>) target_semaphore(%dma_start3A_91 : memref<!tpu.dma_semaphore, #tpu.memory_space<semaphore_mem>>)
      %broadcast_in_dim3A = arith.constant 0x7F800000 : f32
      %broadcast_in_dim3A_98 = vector.broadcast %broadcast_in_dim3A : f32 to vector<16xf32>
      %broadcast_in_dim3A_99 = arith.constant 0xFF800000 : f32
      %broadcast_in_dim3A_100 = vector.broadcast %broadcast_in_dim3A_99 : f32 to vector<16xf32>
      %gt3A_101 = arith.constant 0 : i32
      %gt3A_102 = arith.cmpi sgt, %scan3A_75, %gt3A_101 : i32
      %convert_element_type3A_103 = arith.extui %gt3A_102 : i1 to i32
      %cond3A_104 = arith.constant 0 : i32
      %cond3A_105 = arith.cmpi ne, %convert_element_type3A_103, %cond3A_104 : i32
      scf.if %cond3A_105 {
        %dma_wait3A_294 = arith.constant 0 : i32
        %dma_wait3A_295 = arith.constant 0 : i32
        %dma_wait3A_296 = arith.constant 1 : i32
        %dma_wait3A_297 = arith.constant 64 : i32
        %dma_wait3A_298 = arith.constant 0 : i32
        %dma_wait3A_299 = tpu.memref_slice %arg6[%dma_wait3A_297, %dma_wait3A_298] : memref<128x512xf32, #tpu.memory_space<vmem>> -> memref<64x512xf32, #tpu.memory_space<vmem>>
        %dma_wait3A_300 = arith.constant 0 : i32
        %dma_wait3A_301 = arith.constant 0 : i32
        %dma_wait3A_302 = tpu.memref_slice %arg5[%dma_wait3A_294, %dma_wait3A_295, %dma_wait3A_300, %dma_wait3A_301] : memref<64x1x512x512xf32, #tpu.memory_space<hbm>> -> memref<1x1x64x512xf32, #tpu.memory_space<hbm>>
        %dma_wait3A_303 = tpu.memref_squeeze %dma_wait3A_302 : memref<1x1x64x512xf32, #tpu.memory_space<hbm>> -> memref<64x512xf32, #tpu.memory_space<hbm>>
        %dma_wait3A_304 = tpu.memref_slice %arg13[%dma_wait3A_296] : memref<2x!tpu.dma_semaphore, #tpu.memory_space<semaphore_mem>> -> memref<1x!tpu.dma_semaphore, #tpu.memory_space<semaphore_mem>>
        %dma_wait3A_305 = tpu.memref_squeeze %dma_wait3A_304 : memref<1x!tpu.dma_semaphore, #tpu.memory_space<semaphore_mem>> -> memref<!tpu.dma_semaphore, #tpu.memory_space<semaphore_mem>>
        %dma_wait3A_306 = arith.constant 0 : i32
        %dma_wait3A_307 = arith.constant 0 : i32
        %dma_wait3A_308 = tpu.memref_slice %arg5[%dma_wait3A_294, %dma_wait3A_295, %dma_wait3A_306, %dma_wait3A_307] : memref<64x1x512x512xf32, #tpu.memory_space<hbm>> -> memref<1x1x64x512xf32, #tpu.memory_space<hbm>>
        %dma_wait3A_309 = tpu.memref_squeeze %dma_wait3A_308 : memref<1x1x64x512xf32, #tpu.memory_space<hbm>> -> memref<64x512xf32, #tpu.memory_space<hbm>>
        %dma_wait3A_310 = arith.constant 64 : i32
        %dma_wait3A_311 = arith.constant 0 : i32
        %dma_wait3A_312 = tpu.memref_slice %arg6[%dma_wait3A_310, %dma_wait3A_311] : memref<128x512xf32, #tpu.memory_space<vmem>> -> memref<64x512xf32, #tpu.memory_space<vmem>>
        tpu.wait_dma2 semaphore(%dma_wait3A_305 : memref<!tpu.dma_semaphore, #tpu.memory_space<semaphore_mem>>) src(%dma_wait3A_312 : memref<64x512xf32, #tpu.memory_space<vmem>>) dst(%dma_wait3A_309 : memref<64x512xf32, #tpu.memory_space<hbm>>)
      } else {
      }
      %add3A_106 = arith.constant 64 : i32
      %add3A_107 = arith.addi %mul3A_29, %add3A_106 : i32
      %dma_start3A_108 = arith.constant 0 : i32
      %dma_start3A_109 = arith.constant 1 : i32
      %dma_start3A_110 = arith.constant 64 : i32
      %dma_start3A_111 = arith.constant 0 : i32
      %dma_start3A_112 = tpu.memref_slice %arg6[%dma_start3A_110, %dma_start3A_111] : memref<128x512xf32, #tpu.memory_space<vmem>> -> memref<64x512xf32, #tpu.memory_space<vmem>>
      %dma_start3A_113 = arith.constant 0 : i32
      %dma_start3A_114 = tpu.memref_slice %arg2[%add3A_78, %dma_start3A_108, %add3A_107, %dma_start3A_113] : memref<64x1x512x512xf32, #tpu.memory_space<hbm>> -> memref<1x1x64x512xf32, #tpu.memory_space<hbm>>
      %dma_start3A_115 = tpu.memref_squeeze %dma_start3A_114 : memref<1x1x64x512xf32, #tpu.memory_space<hbm>> -> memref<64x512xf32, #tpu.memory_space<hbm>>
      %dma_start3A_116 = tpu.memref_slice %arg12[%dma_start3A_109] : memref<2x!tpu.dma_semaphore, #tpu.memory_space<semaphore_mem>> -> memref<1x!tpu.dma_semaphore, #tpu.memory_space<semaphore_mem>>
      %dma_start3A_117 = tpu.memref_squeeze %dma_start3A_116 : memref<1x!tpu.dma_semaphore, #tpu.memory_space<semaphore_mem>> -> memref<!tpu.dma_semaphore, #tpu.memory_space<semaphore_mem>>
      %dma_start3A_118 = arith.constant 64 : i32
      %dma_start3A_119 = arith.constant 0 : i32
      %dma_start3A_120 = tpu.memref_slice %arg6[%dma_start3A_118, %dma_start3A_119] : memref<128x512xf32, #tpu.memory_space<vmem>> -> memref<64x512xf32, #tpu.memory_space<vmem>>
      %dma_start3A_121 = arith.constant 0 : i32
      %dma_start3A_122 = tpu.memref_slice %arg2[%add3A_78, %dma_start3A_108, %add3A_107, %dma_start3A_121] : memref<64x1x512x512xf32, #tpu.memory_space<hbm>> -> memref<1x1x64x512xf32, #tpu.memory_space<hbm>>
      %dma_start3A_123 = tpu.memref_squeeze %dma_start3A_122 : memref<1x1x64x512xf32, #tpu.memory_space<hbm>> -> memref<64x512xf32, #tpu.memory_space<hbm>>
      tpu.enqueue_dma source(%dma_start3A_123 : memref<64x512xf32, #tpu.memory_space<hbm>>) target(%dma_start3A_120 : memref<64x512xf32, #tpu.memory_space<vmem>>) target_semaphore(%dma_start3A_117 : memref<!tpu.dma_semaphore, #tpu.memory_space<semaphore_mem>>)
      %dma_wait3A_124 = arith.constant 0 : i32
      %dma_wait3A_125 = arith.constant 0 : i32
      %dma_wait3A_126 = arith.constant 0 : i32
      %dma_wait3A_127 = arith.constant 0 : i32
      %dma_wait3A_128 = arith.constant 0 : i32
      %dma_wait3A_129 = tpu.memref_slice %arg6[%dma_wait3A_127, %dma_wait3A_128] : memref<128x512xf32, #tpu.memory_space<vmem>> -> memref<64x512xf32, #tpu.memory_space<vmem>>
      %dma_wait3A_130 = arith.constant 0 : i32
      %dma_wait3A_131 = arith.constant 0 : i32
      %dma_wait3A_132 = tpu.memref_slice %arg2[%dma_wait3A_124, %dma_wait3A_125, %dma_wait3A_130, %dma_wait3A_131] : memref<64x1x512x512xf32, #tpu.memory_space<hbm>> -> memref<1x1x64x512xf32, #tpu.memory_space<hbm>>
      %dma_wait3A_133 = tpu.memref_squeeze %dma_wait3A_132 : memref<1x1x64x512xf32, #tpu.memory_space<hbm>> -> memref<64x512xf32, #tpu.memory_space<hbm>>
      %dma_wait3A_134 = tpu.memref_slice %arg12[%dma_wait3A_126] : memref<2x!tpu.dma_semaphore, #tpu.memory_space<semaphore_mem>> -> memref<1x!tpu.dma_semaphore, #tpu.memory_space<semaphore_mem>>
      %dma_wait3A_135 = tpu.memref_squeeze %dma_wait3A_134 : memref<1x!tpu.dma_semaphore, #tpu.memory_space<semaphore_mem>> -> memref<!tpu.dma_semaphore, #tpu.memory_space<semaphore_mem>>
      %dma_wait3A_136 = arith.constant 0 : i32
      %dma_wait3A_137 = arith.constant 0 : i32
      %dma_wait3A_138 = tpu.memref_slice %arg6[%dma_wait3A_136, %dma_wait3A_137] : memref<128x512xf32, #tpu.memory_space<vmem>> -> memref<64x512xf32, #tpu.memory_space<vmem>>
      %dma_wait3A_139 = arith.constant 0 : i32
      %dma_wait3A_140 = arith.constant 0 : i32
      %dma_wait3A_141 = tpu.memref_slice %arg2[%dma_wait3A_124, %dma_wait3A_125, %dma_wait3A_139, %dma_wait3A_140] : memref<64x1x512x512xf32, #tpu.memory_space<hbm>> -> memref<1x1x64x512xf32, #tpu.memory_space<hbm>>
      %dma_wait3A_142 = tpu.memref_squeeze %dma_wait3A_141 : memref<1x1x64x512xf32, #tpu.memory_space<hbm>> -> memref<64x512xf32, #tpu.memory_space<hbm>>
      tpu.wait_dma2 semaphore(%dma_wait3A_135 : memref<!tpu.dma_semaphore, #tpu.memory_space<semaphore_mem>>) src(%dma_wait3A_142 : memref<64x512xf32, #tpu.memory_space<hbm>>) dst(%dma_wait3A_138 : memref<64x512xf32, #tpu.memory_space<vmem>>)
      %parallel_loop3A = arith.constant 0 : i32
      %parallel_loop3A_143 = arith.constant 32768 : i32
      %parallel_loop3A_144 = arith.constant 32 : i32
      %parallel_loop3A_145:4 = scf.for %parallel_loop3A_294 = %parallel_loop3A to %parallel_loop3A_143 step %parallel_loop3A_144 iter_args(%parallel_loop3A_295 = %broadcast_in_dim3A_98, %parallel_loop3A_296 = %broadcast_in_dim3A_100, %parallel_loop3A_297 = %broadcast_in_dim3A_98, %parallel_loop3A_298 = %broadcast_in_dim3A_100) -> (vector<16xf32>, vector<16xf32>, vector<16xf32>, vector<16xf32>)  : i32 {
        %parallel_loop3A_299 = arith.constant 9 : i32
        %parallel_loop3A_300 = arith.shrui %parallel_loop3A_294, %parallel_loop3A_299 : i32
        %parallel_loop3A_301 = arith.constant 0 : i32
        %parallel_loop3A_302 = arith.addi %parallel_loop3A_301, %parallel_loop3A_300 : i32
        %parallel_loop3A_303 = arith.constant 511 : i32
        %parallel_loop3A_304 = arith.andi %parallel_loop3A_294, %parallel_loop3A_303 : i32
        %parallel_loop3A_305 = arith.constant 0 : i32
        %parallel_loop3A_306 = arith.addi %parallel_loop3A_304, %parallel_loop3A_305 : i32
        %parallel_loop3A_307 = arith.index_cast %parallel_loop3A_302 : i32 to index
        %parallel_loop3A_308 = arith.index_cast %parallel_loop3A_306 : i32 to index
        %parallel_loop3A_309 = tpu.vector_load %arg6[%parallel_loop3A_307, %parallel_loop3A_308] {strides = array<i32>} : memref<128x512xf32, #tpu.memory_space<vmem>>, vector<16xf32>,
        %parallel_loop3A_310 = arith.constant 2.555000e+02 : f32
        %parallel_loop3A_311 = vector.broadcast %parallel_loop3A_310 : f32 to vector<16xf32>
        %parallel_loop3A_312 = arith.mulf %parallel_loop3A_309, %parallel_loop3A_311 : vector<16xf32>
        %parallel_loop3A_313 = arith.constant 2.565000e+02 : f32
        %parallel_loop3A_314 = vector.broadcast %parallel_loop3A_313 : f32 to vector<16xf32>
        %parallel_loop3A_315 = arith.addf %parallel_loop3A_312, %parallel_loop3A_314 : vector<16xf32>
        %parallel_loop3A_316 = arith.fptosi %parallel_loop3A_315 : vector<16xf32> to vector<16xi32>
        %parallel_loop3A_317 = arith.constant 1 : i32
        %parallel_loop3A_318 = arith.constant 511 : i32
        %parallel_loop3A_319 = vector.broadcast %parallel_loop3A_317 : i32 to vector<16xi32>
        %parallel_loop3A_320 = arith.maxsi %parallel_loop3A_319, %parallel_loop3A_316 : vector<16xi32>
        %parallel_loop3A_321 = vector.broadcast %parallel_loop3A_318 : i32 to vector<16xi32>
        %parallel_loop3A_322 = arith.minsi %parallel_loop3A_321, %parallel_loop3A_320 : vector<16xi32>
        %parallel_loop3A_323 = arith.constant 4 : i32
        %parallel_loop3A_324 = vector.broadcast %parallel_loop3A_323 : i32 to vector<16xi32>
        %parallel_loop3A_325 = arith.shli %parallel_loop3A_322, %parallel_loop3A_324 : vector<16xi32>
        %parallel_loop3A_326 = arith.addi %parallel_loop3A_325, %iota3A : vector<16xi32>
        %parallel_loop3A_327 = tpu.vector_load_idx %arg7[%parallel_loop3A_326] : memref<8192xf32, #tpu.memory_space<vmem>>[vector<16xi32>], vector<16xf32>,
        %parallel_loop3A_328 = tpu.vector_load_idx %arg8[%parallel_loop3A_326] : memref<8192xf32, #tpu.memory_space<vmem>>[vector<16xi32>], vector<16xf32>,
        %parallel_loop3A_329 = arith.mulf %parallel_loop3A_328, %parallel_loop3A_309 : vector<16xf32>
        %parallel_loop3A_330 = arith.addf %parallel_loop3A_327, %parallel_loop3A_329 : vector<16xf32>
        %parallel_loop3A_331 = arith.constant 0 : i32
        %parallel_loop3A_332 = arith.addi %parallel_loop3A_304, %parallel_loop3A_331 : i32
        %parallel_loop3A_333 = arith.index_cast %parallel_loop3A_302 : i32 to index
        %parallel_loop3A_334 = arith.index_cast %parallel_loop3A_332 : i32 to index
        %parallel_loop3A_335 = tpu.vector_load %arg6[%parallel_loop3A_333, %parallel_loop3A_334] {strides = array<i32>} : memref<128x512xf32, #tpu.memory_space<vmem>>, vector<16xf32>,
        tpu.vector_store %arg6[%parallel_loop3A_333, %parallel_loop3A_334], %parallel_loop3A_330 {strides = array<i32>} : memref<128x512xf32, #tpu.memory_space<vmem>>, vector<16xf32>,
        %parallel_loop3A_336 = arith.minimumf %parallel_loop3A_295, %parallel_loop3A_330 : vector<16xf32>
        %parallel_loop3A_337 = arith.maximumf %parallel_loop3A_296, %parallel_loop3A_330 : vector<16xf32>
        %parallel_loop3A_338 = arith.constant 16 : i32
        %parallel_loop3A_339 = arith.addi %parallel_loop3A_304, %parallel_loop3A_338 : i32
        %parallel_loop3A_340 = arith.index_cast %parallel_loop3A_302 : i32 to index
        %parallel_loop3A_341 = arith.index_cast %parallel_loop3A_339 : i32 to index
        %parallel_loop3A_342 = tpu.vector_load %arg6[%parallel_loop3A_340, %parallel_loop3A_341] {strides = array<i32>} : memref<128x512xf32, #tpu.memory_space<vmem>>, vector<16xf32>,
        %parallel_loop3A_343 = arith.constant 2.555000e+02 : f32
        %parallel_loop3A_344 = vector.broadcast %parallel_loop3A_343 : f32 to vector<16xf32>
        %parallel_loop3A_345 = arith.mulf %parallel_loop3A_342, %parallel_loop3A_344 : vector<16xf32>
        %parallel_loop3A_346 = arith.constant 2.565000e+02 : f32
        %parallel_loop3A_347 = vector.broadcast %parallel_loop3A_346 : f32 to vector<16xf32>
        %parallel_loop3A_348 = arith.addf %parallel_loop3A_345, %parallel_loop3A_347 : vector<16xf32>
        %parallel_loop3A_349 = arith.fptosi %parallel_loop3A_348 : vector<16xf32> to vector<16xi32>
        %parallel_loop3A_350 = arith.constant 1 : i32
        %parallel_loop3A_351 = arith.constant 511 : i32
        %parallel_loop3A_352 = vector.broadcast %parallel_loop3A_350 : i32 to vector<16xi32>
        %parallel_loop3A_353 = arith.maxsi %parallel_loop3A_352, %parallel_loop3A_349 : vector<16xi32>
        %parallel_loop3A_354 = vector.broadcast %parallel_loop3A_351 : i32 to vector<16xi32>
        %parallel_loop3A_355 = arith.minsi %parallel_loop3A_354, %parallel_loop3A_353 : vector<16xi32>
        %parallel_loop3A_356 = arith.constant 4 : i32
        %parallel_loop3A_357 = vector.broadcast %parallel_loop3A_356 : i32 to vector<16xi32>
        %parallel_loop3A_358 = arith.shli %parallel_loop3A_355, %parallel_loop3A_357 : vector<16xi32>
        %parallel_loop3A_359 = arith.addi %parallel_loop3A_358, %iota3A : vector<16xi32>
        %parallel_loop3A_360 = tpu.vector_load_idx %arg7[%parallel_loop3A_359] : memref<8192xf32, #tpu.memory_space<vmem>>[vector<16xi32>], vector<16xf32>,
        %parallel_loop3A_361 = tpu.vector_load_idx %arg8[%parallel_loop3A_359] : memref<8192xf32, #tpu.memory_space<vmem>>[vector<16xi32>], vector<16xf32>,
        %parallel_loop3A_362 = arith.mulf %parallel_loop3A_361, %parallel_loop3A_342 : vector<16xf32>
        %parallel_loop3A_363 = arith.addf %parallel_loop3A_360, %parallel_loop3A_362 : vector<16xf32>
        %parallel_loop3A_364 = arith.constant 16 : i32
        %parallel_loop3A_365 = arith.addi %parallel_loop3A_304, %parallel_loop3A_364 : i32
        %parallel_loop3A_366 = arith.index_cast %parallel_loop3A_302 : i32 to index
        %parallel_loop3A_367 = arith.index_cast %parallel_loop3A_365 : i32 to index
        %parallel_loop3A_368 = tpu.vector_load %arg6[%parallel_loop3A_366, %parallel_loop3A_367] {strides = array<i32>} : memref<128x512xf32, #tpu.memory_space<vmem>>, vector<16xf32>,
        tpu.vector_store %arg6[%parallel_loop3A_366, %parallel_loop3A_367], %parallel_loop3A_363 {strides = array<i32>} : memref<128x512xf32, #tpu.memory_space<vmem>>, vector<16xf32>,
        %parallel_loop3A_369 = arith.minimumf %parallel_loop3A_297, %parallel_loop3A_363 : vector<16xf32>
        %parallel_loop3A_370 = arith.maximumf %parallel_loop3A_298, %parallel_loop3A_363 : vector<16xf32>
        scf.yield %parallel_loop3A_336, %parallel_loop3A_337, %parallel_loop3A_369, %parallel_loop3A_370 : vector<16xf32>, vector<16xf32>, vector<16xf32>, vector<16xf32>
      } {sc.loop_unroll_factor = 8 : i64, sc.parallel_access}
      %dma_wait3A_146 = arith.constant 0 : i32
      %dma_wait3A_147 = arith.constant 0 : i32
      %dma_wait3A_148 = arith.constant 1 : i32
      %dma_wait3A_149 = arith.constant 64 : i32
      %dma_wait3A_150 = arith.constant 0 : i32
      %dma_wait3A_151 = tpu.memref_slice %arg6[%dma_wait3A_149, %dma_wait3A_150] : memref<128x512xf32, #tpu.memory_space<vmem>> -> memref<64x512xf32, #tpu.memory_space<vmem>>
      %dma_wait3A_152 = arith.constant 0 : i32
      %dma_wait3A_153 = arith.constant 0 : i32
      %dma_wait3A_154 = tpu.memref_slice %arg2[%dma_wait3A_146, %dma_wait3A_147, %dma_wait3A_152, %dma_wait3A_153] : memref<64x1x512x512xf32, #tpu.memory_space<hbm>> -> memref<1x1x64x512xf32, #tpu.memory_space<hbm>>
      %dma_wait3A_155 = tpu.memref_squeeze %dma_wait3A_154 : memref<1x1x64x512xf32, #tpu.memory_space<hbm>> -> memref<64x512xf32, #tpu.memory_space<hbm>>
      %dma_wait3A_156 = tpu.memref_slice %arg12[%dma_wait3A_148] : memref<2x!tpu.dma_semaphore, #tpu.memory_space<semaphore_mem>> -> memref<1x!tpu.dma_semaphore, #tpu.memory_space<semaphore_mem>>
      %dma_wait3A_157 = tpu.memref_squeeze %dma_wait3A_156 : memref<1x!tpu.dma_semaphore, #tpu.memory_space<semaphore_mem>> -> memref<!tpu.dma_semaphore, #tpu.memory_space<semaphore_mem>>
      %dma_wait3A_158 = arith.constant 64 : i32
      %dma_wait3A_159 = arith.constant 0 : i32
      %dma_wait3A_160 = tpu.memref_slice %arg6[%dma_wait3A_158, %dma_wait3A_159] : memref<128x512xf32, #tpu.memory_space<vmem>> -> memref<64x512xf32, #tpu.memory_space<vmem>>
      %dma_wait3A_161 = arith.constant 0 : i32
      %dma_wait3A_162 = arith.constant 0 : i32
      %dma_wait3A_163 = tpu.memref_slice %arg2[%dma_wait3A_146, %dma_wait3A_147, %dma_wait3A_161, %dma_wait3A_162] : memref<64x1x512x512xf32, #tpu.memory_space<hbm>> -> memref<1x1x64x512xf32, #tpu.memory_space<hbm>>
      %dma_wait3A_164 = tpu.memref_squeeze %dma_wait3A_163 : memref<1x1x64x512xf32, #tpu.memory_space<hbm>> -> memref<64x512xf32, #tpu.memory_space<hbm>>
      tpu.wait_dma2 semaphore(%dma_wait3A_157 : memref<!tpu.dma_semaphore, #tpu.memory_space<semaphore_mem>>) src(%dma_wait3A_164 : memref<64x512xf32, #tpu.memory_space<hbm>>) dst(%dma_wait3A_160 : memref<64x512xf32, #tpu.memory_space<vmem>>)
      %parallel_loop3A_165 = arith.constant 0 : i32
      %parallel_loop3A_166 = arith.constant 32768 : i32
      %parallel_loop3A_167 = arith.constant 32 : i32
      %parallel_loop3A_168:4 = scf.for %parallel_loop3A_294 = %parallel_loop3A_165 to %parallel_loop3A_166 step %parallel_loop3A_167 iter_args(%parallel_loop3A_295 = %parallel_loop3A_145#0, %parallel_loop3A_296 = %parallel_loop3A_145#1, %parallel_loop3A_297 = %parallel_loop3A_145#2, %parallel_loop3A_298 = %parallel_loop3A_145#3) -> (vector<16xf32>, vector<16xf32>, vector<16xf32>, vector<16xf32>)  : i32 {
        %parallel_loop3A_299 = arith.constant 9 : i32
        %parallel_loop3A_300 = arith.shrui %parallel_loop3A_294, %parallel_loop3A_299 : i32
        %parallel_loop3A_301 = arith.constant 64 : i32
        %parallel_loop3A_302 = arith.addi %parallel_loop3A_301, %parallel_loop3A_300 : i32
        %parallel_loop3A_303 = arith.constant 511 : i32
        %parallel_loop3A_304 = arith.andi %parallel_loop3A_294, %parallel_loop3A_303 : i32
        %parallel_loop3A_305 = arith.constant 0 : i32
        %parallel_loop3A_306 = arith.addi %parallel_loop3A_304, %parallel_loop3A_305 : i32
        %parallel_loop3A_307 = arith.index_cast %parallel_loop3A_302 : i32 to index
        %parallel_loop3A_308 = arith.index_cast %parallel_loop3A_306 : i32 to index
        %parallel_loop3A_309 = tpu.vector_load %arg6[%parallel_loop3A_307, %parallel_loop3A_308] {strides = array<i32>} : memref<128x512xf32, #tpu.memory_space<vmem>>, vector<16xf32>,
        %parallel_loop3A_310 = arith.constant 2.555000e+02 : f32
        %parallel_loop3A_311 = vector.broadcast %parallel_loop3A_310 : f32 to vector<16xf32>
        %parallel_loop3A_312 = arith.mulf %parallel_loop3A_309, %parallel_loop3A_311 : vector<16xf32>
        %parallel_loop3A_313 = arith.constant 2.565000e+02 : f32
        %parallel_loop3A_314 = vector.broadcast %parallel_loop3A_313 : f32 to vector<16xf32>
        %parallel_loop3A_315 = arith.addf %parallel_loop3A_312, %parallel_loop3A_314 : vector<16xf32>
        %parallel_loop3A_316 = arith.fptosi %parallel_loop3A_315 : vector<16xf32> to vector<16xi32>
        %parallel_loop3A_317 = arith.constant 1 : i32
        %parallel_loop3A_318 = arith.constant 511 : i32
        %parallel_loop3A_319 = vector.broadcast %parallel_loop3A_317 : i32 to vector<16xi32>
        %parallel_loop3A_320 = arith.maxsi %parallel_loop3A_319, %parallel_loop3A_316 : vector<16xi32>
        %parallel_loop3A_321 = vector.broadcast %parallel_loop3A_318 : i32 to vector<16xi32>
        %parallel_loop3A_322 = arith.minsi %parallel_loop3A_321, %parallel_loop3A_320 : vector<16xi32>
        %parallel_loop3A_323 = arith.constant 4 : i32
        %parallel_loop3A_324 = vector.broadcast %parallel_loop3A_323 : i32 to vector<16xi32>
        %parallel_loop3A_325 = arith.shli %parallel_loop3A_322, %parallel_loop3A_324 : vector<16xi32>
        %parallel_loop3A_326 = arith.addi %parallel_loop3A_325, %iota3A : vector<16xi32>
        %parallel_loop3A_327 = tpu.vector_load_idx %arg7[%parallel_loop3A_326] : memref<8192xf32, #tpu.memory_space<vmem>>[vector<16xi32>], vector<16xf32>,
        %parallel_loop3A_328 = tpu.vector_load_idx %arg8[%parallel_loop3A_326] : memref<8192xf32, #tpu.memory_space<vmem>>[vector<16xi32>], vector<16xf32>,
        %parallel_loop3A_329 = arith.mulf %parallel_loop3A_328, %parallel_loop3A_309 : vector<16xf32>
        %parallel_loop3A_330 = arith.addf %parallel_loop3A_327, %parallel_loop3A_329 : vector<16xf32>
        %parallel_loop3A_331 = arith.constant 0 : i32
        %parallel_loop3A_332 = arith.addi %parallel_loop3A_304, %parallel_loop3A_331 : i32
        %parallel_loop3A_333 = arith.index_cast %parallel_loop3A_302 : i32 to index
        %parallel_loop3A_334 = arith.index_cast %parallel_loop3A_332 : i32 to index
        %parallel_loop3A_335 = tpu.vector_load %arg6[%parallel_loop3A_333, %parallel_loop3A_334] {strides = array<i32>} : memref<128x512xf32, #tpu.memory_space<vmem>>, vector<16xf32>,
        tpu.vector_store %arg6[%parallel_loop3A_333, %parallel_loop3A_334], %parallel_loop3A_330 {strides = array<i32>} : memref<128x512xf32, #tpu.memory_space<vmem>>, vector<16xf32>,
        %parallel_loop3A_336 = arith.minimumf %parallel_loop3A_295, %parallel_loop3A_330 : vector<16xf32>
        %parallel_loop3A_337 = arith.maximumf %parallel_loop3A_296, %parallel_loop3A_330 : vector<16xf32>
        %parallel_loop3A_338 = arith.constant 16 : i32
        %parallel_loop3A_339 = arith.addi %parallel_loop3A_304, %parallel_loop3A_338 : i32
        %parallel_loop3A_340 = arith.index_cast %parallel_loop3A_302 : i32 to index
        %parallel_loop3A_341 = arith.index_cast %parallel_loop3A_339 : i32 to index
        %parallel_loop3A_342 = tpu.vector_load %arg6[%parallel_loop3A_340, %parallel_loop3A_341] {strides = array<i32>} : memref<128x512xf32, #tpu.memory_space<vmem>>, vector<16xf32>,
        %parallel_loop3A_343 = arith.constant 2.555000e+02 : f32
        %parallel_loop3A_344 = vector.broadcast %parallel_loop3A_343 : f32 to vector<16xf32>
        %parallel_loop3A_345 = arith.mulf %parallel_loop3A_342, %parallel_loop3A_344 : vector<16xf32>
        %parallel_loop3A_346 = arith.constant 2.565000e+02 : f32
        %parallel_loop3A_347 = vector.broadcast %parallel_loop3A_346 : f32 to vector<16xf32>
        %parallel_loop3A_348 = arith.addf %parallel_loop3A_345, %parallel_loop3A_347 : vector<16xf32>
        %parallel_loop3A_349 = arith.fptosi %parallel_loop3A_348 : vector<16xf32> to vector<16xi32>
        %parallel_loop3A_350 = arith.constant 1 : i32
        %parallel_loop3A_351 = arith.constant 511 : i32
        %parallel_loop3A_352 = vector.broadcast %parallel_loop3A_350 : i32 to vector<16xi32>
        %parallel_loop3A_353 = arith.maxsi %parallel_loop3A_352, %parallel_loop3A_349 : vector<16xi32>
        %parallel_loop3A_354 = vector.broadcast %parallel_loop3A_351 : i32 to vector<16xi32>
        %parallel_loop3A_355 = arith.minsi %parallel_loop3A_354, %parallel_loop3A_353 : vector<16xi32>
        %parallel_loop3A_356 = arith.constant 4 : i32
        %parallel_loop3A_357 = vector.broadcast %parallel_loop3A_356 : i32 to vector<16xi32>
        %parallel_loop3A_358 = arith.shli %parallel_loop3A_355, %parallel_loop3A_357 : vector<16xi32>
        %parallel_loop3A_359 = arith.addi %parallel_loop3A_358, %iota3A : vector<16xi32>
        %parallel_loop3A_360 = tpu.vector_load_idx %arg7[%parallel_loop3A_359] : memref<8192xf32, #tpu.memory_space<vmem>>[vector<16xi32>], vector<16xf32>,
        %parallel_loop3A_361 = tpu.vector_load_idx %arg8[%parallel_loop3A_359] : memref<8192xf32, #tpu.memory_space<vmem>>[vector<16xi32>], vector<16xf32>,
        %parallel_loop3A_362 = arith.mulf %parallel_loop3A_361, %parallel_loop3A_342 : vector<16xf32>
        %parallel_loop3A_363 = arith.addf %parallel_loop3A_360, %parallel_loop3A_362 : vector<16xf32>
        %parallel_loop3A_364 = arith.constant 16 : i32
        %parallel_loop3A_365 = arith.addi %parallel_loop3A_304, %parallel_loop3A_364 : i32
        %parallel_loop3A_366 = arith.index_cast %parallel_loop3A_302 : i32 to index
        %parallel_loop3A_367 = arith.index_cast %parallel_loop3A_365 : i32 to index
        %parallel_loop3A_368 = tpu.vector_load %arg6[%parallel_loop3A_366, %parallel_loop3A_367] {strides = array<i32>} : memref<128x512xf32, #tpu.memory_space<vmem>>, vector<16xf32>,
        tpu.vector_store %arg6[%parallel_loop3A_366, %parallel_loop3A_367], %parallel_loop3A_363 {strides = array<i32>} : memref<128x512xf32, #tpu.memory_space<vmem>>, vector<16xf32>,
        %parallel_loop3A_369 = arith.minimumf %parallel_loop3A_297, %parallel_loop3A_363 : vector<16xf32>
        %parallel_loop3A_370 = arith.maximumf %parallel_loop3A_298, %parallel_loop3A_363 : vector<16xf32>
        scf.yield %parallel_loop3A_336, %parallel_loop3A_337, %parallel_loop3A_369, %parallel_loop3A_370 : vector<16xf32>, vector<16xf32>, vector<16xf32>, vector<16xf32>
      } {sc.loop_unroll_factor = 8 : i64, sc.parallel_access}
      %min3A = arith.minimumf %parallel_loop3A_168#0, %parallel_loop3A_168#2 : vector<16xf32>
      %max3A = arith.maximumf %parallel_loop3A_168#1, %parallel_loop3A_168#3 : vector<16xf32>
      %swap3A = arith.constant 0 : index
      %swap3A_169 = tpu.vector_load %arg9[%swap3A] {strides = array<i32>} : memref<128xf32, #tpu.memory_space<vmem>>, vector<16xf32>,
      tpu.vector_store %arg9[%swap3A], %min3A {strides = array<i32>} : memref<128xf32, #tpu.memory_space<vmem>>, vector<16xf32>,
      %swap3A_170 = arith.constant 16 : index
      %swap3A_171 = tpu.vector_load %arg9[%swap3A_170] {strides = array<i32>} : memref<128xf32, #tpu.memory_space<vmem>>, vector<16xf32>,
      tpu.vector_store %arg9[%swap3A_170], %max3A {strides = array<i32>} : memref<128xf32, #tpu.memory_space<vmem>>, vector<16xf32>,
      "tpu.region"() ({
        %run_scoped3A = tpu.sem_alloc : memref<!tpu.dma_semaphore, #tpu.memory_space<semaphore_mem>>
        %dma_start3A_294 = arith.constant 0 : i32
        %dma_start3A_295 = tpu.memref_slice %arg11[%arg1, %dma_start3A_294] : memref<16x128xf32, #tpu.memory_space<vmem_shared>> -> memref<1x128xf32, #tpu.memory_space<vmem_shared>>
        %dma_start3A_296 = tpu.memref_squeeze %dma_start3A_295 : memref<1x128xf32, #tpu.memory_space<vmem_shared>> -> memref<128xf32, #tpu.memory_space<vmem_shared>>
        %dma_start3A_297 = arith.constant 0 : i32
        %dma_start3A_298 = tpu.memref_slice %arg11[%arg1, %dma_start3A_297] : memref<16x128xf32, #tpu.memory_space<vmem_shared>> -> memref<1x128xf32, #tpu.memory_space<vmem_shared>>
        %dma_start3A_299 = tpu.memref_squeeze %dma_start3A_298 : memref<1x128xf32, #tpu.memory_space<vmem_shared>> -> memref<128xf32, #tpu.memory_space<vmem_shared>>
        tpu.enqueue_dma source(%arg9 : memref<128xf32, #tpu.memory_space<vmem>>) target(%dma_start3A_299 : memref<128xf32, #tpu.memory_space<vmem_shared>>) target_semaphore(%run_scoped3A : memref<!tpu.dma_semaphore, #tpu.memory_space<semaphore_mem>>)
        %dma_wait3A_300 = arith.constant 0 : i32
        %dma_wait3A_301 = tpu.memref_slice %arg11[%arg1, %dma_wait3A_300] : memref<16x128xf32, #tpu.memory_space<vmem_shared>> -> memref<1x128xf32, #tpu.memory_space<vmem_shared>>
        %dma_wait3A_302 = tpu.memref_squeeze %dma_wait3A_301 : memref<1x128xf32, #tpu.memory_space<vmem_shared>> -> memref<128xf32, #tpu.memory_space<vmem_shared>>
        %dma_wait3A_303 = arith.constant 0 : i32
        %dma_wait3A_304 = tpu.memref_slice %arg11[%arg1, %dma_wait3A_303] : memref<16x128xf32, #tpu.memory_space<vmem_shared>> -> memref<1x128xf32, #tpu.memory_space<vmem_shared>>
        %dma_wait3A_305 = tpu.memref_squeeze %dma_wait3A_304 : memref<1x128xf32, #tpu.memory_space<vmem_shared>> -> memref<128xf32, #tpu.memory_space<vmem_shared>>
        tpu.wait_dma2 semaphore(%run_scoped3A : memref<!tpu.dma_semaphore, #tpu.memory_space<semaphore_mem>>) src(%arg9 : memref<128xf32, #tpu.memory_space<vmem>>) dst(%dma_wait3A_305 : memref<128xf32, #tpu.memory_space<vmem_shared>>)
        tpu.yield
      }) : () -> ()
      %barrier3A = arith.constant 0 : index
      tpu.barrier barrier_id(%barrier3A)
      "tpu.region"() ({
        %run_scoped3A = tpu.sem_alloc : memref<!tpu.dma_semaphore, #tpu.memory_space<semaphore_mem>>
        tpu.enqueue_dma source(%arg11 : memref<16x128xf32, #tpu.memory_space<vmem_shared>>) target(%arg10 : memref<16x128xf32, #tpu.memory_space<vmem>>) target_semaphore(%run_scoped3A : memref<!tpu.dma_semaphore, #tpu.memory_space<semaphore_mem>>)
        tpu.wait_dma2 semaphore(%run_scoped3A : memref<!tpu.dma_semaphore, #tpu.memory_space<semaphore_mem>>) src(%arg11 : memref<16x128xf32, #tpu.memory_space<vmem_shared>>) dst(%arg10 : memref<16x128xf32, #tpu.memory_space<vmem>>)
        tpu.yield
      }) : () -> ()
      %mul3A_172 = arith.constant 4 : i32
      %mul3A_173 = arith.muli %select_n3A, %mul3A_172 : i32
      %get3A = arith.index_cast %mul3A_173 : i32 to index
      %get3A_174 = arith.constant 0 : index
      %get3A_175 = tpu.vector_load %arg10[%get3A, %get3A_174] {strides = array<i32>} : memref<16x128xf32, #tpu.memory_space<vmem>>, vector<16xf32>,
      %mul3A_176 = arith.constant 4 : i32
      %mul3A_177 = arith.muli %select_n3A, %mul3A_176 : i32
      %get3A_178 = arith.index_cast %mul3A_177 : i32 to index
      %get3A_179 = arith.constant 16 : index
      %get3A_180 = tpu.vector_load %arg10[%get3A_178, %get3A_179] {strides = array<i32>} : memref<16x128xf32, #tpu.memory_space<vmem>>, vector<16xf32>,
      %mul3A_181 = arith.constant 4 : i32
      %mul3A_182 = arith.muli %select_n3A, %mul3A_181 : i32
      %add3A_183 = arith.constant 1 : i32
      %add3A_184 = arith.addi %mul3A_182, %add3A_183 : i32
      %get3A_185 = arith.index_cast %add3A_184 : i32 to index
      %get3A_186 = arith.constant 0 : index
      %get3A_187 = tpu.vector_load %arg10[%get3A_185, %get3A_186] {strides = array<i32>} : memref<16x128xf32, #tpu.memory_space<vmem>>, vector<16xf32>,
      %min3A_188 = arith.minimumf %get3A_175, %get3A_187 : vector<16xf32>
      %mul3A_189 = arith.constant 4 : i32
      %mul3A_190 = arith.muli %select_n3A, %mul3A_189 : i32
      %add3A_191 = arith.constant 1 : i32
      %add3A_192 = arith.addi %mul3A_190, %add3A_191 : i32
      %get3A_193 = arith.index_cast %add3A_192 : i32 to index
      %get3A_194 = arith.constant 16 : index
      %get3A_195 = tpu.vector_load %arg10[%get3A_193, %get3A_194] {strides = array<i32>} : memref<16x128xf32, #tpu.memory_space<vmem>>, vector<16xf32>,
      %max3A_196 = arith.maximumf %get3A_180, %get3A_195 : vector<16xf32>
      %mul3A_197 = arith.constant 4 : i32
      %mul3A_198 = arith.muli %select_n3A, %mul3A_197 : i32
      %add3A_199 = arith.constant 2 : i32
      %add3A_200 = arith.addi %mul3A_198, %add3A_199 : i32
      %get3A_201 = arith.index_cast %add3A_200 : i32 to index
      %get3A_202 = arith.constant 0 : index
      %get3A_203 = tpu.vector_load %arg10[%get3A_201, %get3A_202] {strides = array<i32>} : memref<16x128xf32, #tpu.memory_space<vmem>>, vector<16xf32>,
      %min3A_204 = arith.minimumf %min3A_188, %get3A_203 : vector<16xf32>
      %mul3A_205 = arith.constant 4 : i32
      %mul3A_206 = arith.muli %select_n3A, %mul3A_205 : i32
      %add3A_207 = arith.constant 2 : i32
      %add3A_208 = arith.addi %mul3A_206, %add3A_207 : i32
      %get3A_209 = arith.index_cast %add3A_208 : i32 to index
      %get3A_210 = arith.constant 16 : index
      %get3A_211 = tpu.vector_load %arg10[%get3A_209, %get3A_210] {strides = array<i32>} : memref<16x128xf32, #tpu.memory_space<vmem>>, vector<16xf32>,
      %max3A_212 = arith.maximumf %max3A_196, %get3A_211 : vector<16xf32>
      %mul3A_213 = arith.constant 4 : i32
      %mul3A_214 = arith.muli %select_n3A, %mul3A_213 : i32
      %add3A_215 = arith.constant 3 : i32
      %add3A_216 = arith.addi %mul3A_214, %add3A_215 : i32
      %get3A_217 = arith.index_cast %add3A_216 : i32 to index
      %get3A_218 = arith.constant 0 : index
      %get3A_219 = tpu.vector_load %arg10[%get3A_217, %get3A_218] {strides = array<i32>} : memref<16x128xf32, #tpu.memory_space<vmem>>, vector<16xf32>,
      %min3A_220 = arith.minimumf %min3A_204, %get3A_219 : vector<16xf32>
      %mul3A_221 = arith.constant 4 : i32
      %mul3A_222 = arith.muli %select_n3A, %mul3A_221 : i32
      %add3A_223 = arith.constant 3 : i32
      %add3A_224 = arith.addi %mul3A_222, %add3A_223 : i32
      %get3A_225 = arith.index_cast %add3A_224 : i32 to index
      %get3A_226 = arith.constant 16 : index
      %get3A_227 = tpu.vector_load %arg10[%get3A_225, %get3A_226] {strides = array<i32>} : memref<16x128xf32, #tpu.memory_space<vmem>>, vector<16xf32>,
      %max3A_228 = arith.maximumf %max3A_212, %get3A_227 : vector<16xf32>
      %barrier3A_229 = arith.constant 0 : index
      tpu.barrier barrier_id(%barrier3A_229)
      %reduce_min3A = arith.constant true
      %reduce_min3A_230 = vector.broadcast %reduce_min3A : i1 to vector<16xi1>
      %reduce_min3A_231 = tpu.scan <min>, %min3A_220 masked %reduce_min3A_230 : vector<16xf32>, vector<16xi1> -> vector<16xf32>
      %reduce_min3A_232 = vector.extract %reduce_min3A_231[15] : f32 from vector<16xf32>
      %broadcast_in_dim3A_233 = vector.broadcast %reduce_min3A_232 : f32 to vector<16xf32>
      %reduce_max3A = arith.constant true
      %reduce_max3A_234 = vector.broadcast %reduce_max3A : i1 to vector<16xi1>
      %reduce_max3A_235 = tpu.scan <max>, %max3A_228 masked %reduce_max3A_234 : vector<16xf32>, vector<16xi1> -> vector<16xf32>
      %reduce_max3A_236 = vector.extract %reduce_max3A_235[15] : f32 from vector<16xf32>
      %broadcast_in_dim3A_237 = vector.broadcast %reduce_max3A_236 : f32 to vector<16xf32>
      %sub3A_238 = arith.subf %broadcast_in_dim3A_237, %broadcast_in_dim3A_233 : vector<16xf32>
      %div3A_239 = arith.constant 2.000000e+00 : f32
      %div3A_240 = vector.broadcast %div3A_239 : f32 to vector<16xf32>
      %div3A_241 = arith.divf %div3A_240, %sub3A_238 : vector<16xf32>
      %neg3A = arith.constant 0.000000e+00 : f32
      %neg3A_242 = vector.broadcast %neg3A : f32 to vector<16xf32>
      %neg3A_243 = arith.subf %neg3A_242, %broadcast_in_dim3A_233 : vector<16xf32>
      %mul3A_244 = arith.mulf %neg3A_243, %div3A_241 : vector<16xf32>
      %sub3A_245 = arith.constant 1.000000e+00 : f32
      %sub3A_246 = vector.broadcast %sub3A_245 : f32 to vector<16xf32>
      %sub3A_247 = arith.subf %mul3A_244, %sub3A_246 : vector<16xf32>
      %parallel_loop3A_248 = arith.constant 0 : i32
      %parallel_loop3A_249 = arith.constant 32768 : i32
      %parallel_loop3A_250 = arith.constant 32 : i32
      %parallel_loop3A_251 = arith.constant 0 : i32
      %parallel_loop3A_252 = scf.for %parallel_loop3A_294 = %parallel_loop3A_248 to %parallel_loop3A_249 step %parallel_loop3A_250 iter_args(%parallel_loop3A_295 = %parallel_loop3A_251) -> (i32)  : i32 {
        %parallel_loop3A_296 = arith.constant 9 : i32
        %parallel_loop3A_297 = arith.shrui %parallel_loop3A_294, %parallel_loop3A_296 : i32
        %parallel_loop3A_298 = arith.constant 0 : i32
        %parallel_loop3A_299 = arith.addi %parallel_loop3A_298, %parallel_loop3A_297 : i32
        %parallel_loop3A_300 = arith.constant 511 : i32
        %parallel_loop3A_301 = arith.andi %parallel_loop3A_294, %parallel_loop3A_300 : i32
        %parallel_loop3A_302 = arith.constant 0 : i32
        %parallel_loop3A_303 = arith.addi %parallel_loop3A_301, %parallel_loop3A_302 : i32
        %parallel_loop3A_304 = arith.index_cast %parallel_loop3A_299 : i32 to index
        %parallel_loop3A_305 = arith.index_cast %parallel_loop3A_303 : i32 to index
        %parallel_loop3A_306 = tpu.vector_load %arg6[%parallel_loop3A_304, %parallel_loop3A_305] {strides = array<i32>} : memref<128x512xf32, #tpu.memory_space<vmem>>, vector<16xf32>,
        %parallel_loop3A_307 = arith.mulf %parallel_loop3A_306, %div3A_241 : vector<16xf32>
        %parallel_loop3A_308 = arith.addf %parallel_loop3A_307, %sub3A_247 : vector<16xf32>
        %parallel_loop3A_309 = arith.constant 0 : i32
        %parallel_loop3A_310 = arith.addi %parallel_loop3A_301, %parallel_loop3A_309 : i32
        %parallel_loop3A_311 = arith.index_cast %parallel_loop3A_299 : i32 to index
        %parallel_loop3A_312 = arith.index_cast %parallel_loop3A_310 : i32 to index
        %parallel_loop3A_313 = tpu.vector_load %arg6[%parallel_loop3A_311, %parallel_loop3A_312] {strides = array<i32>} : memref<128x512xf32, #tpu.memory_space<vmem>>, vector<16xf32>,
        tpu.vector_store %arg6[%parallel_loop3A_311, %parallel_loop3A_312], %parallel_loop3A_308 {strides = array<i32>} : memref<128x512xf32, #tpu.memory_space<vmem>>, vector<16xf32>,
        %parallel_loop3A_314 = arith.constant 16 : i32
        %parallel_loop3A_315 = arith.addi %parallel_loop3A_301, %parallel_loop3A_314 : i32
        %parallel_loop3A_316 = arith.index_cast %parallel_loop3A_299 : i32 to index
        %parallel_loop3A_317 = arith.index_cast %parallel_loop3A_315 : i32 to index
        %parallel_loop3A_318 = tpu.vector_load %arg6[%parallel_loop3A_316, %parallel_loop3A_317] {strides = array<i32>} : memref<128x512xf32, #tpu.memory_space<vmem>>, vector<16xf32>,
        %parallel_loop3A_319 = arith.mulf %parallel_loop3A_318, %div3A_241 : vector<16xf32>
        %parallel_loop3A_320 = arith.addf %parallel_loop3A_319, %sub3A_247 : vector<16xf32>
        %parallel_loop3A_321 = arith.constant 16 : i32
        %parallel_loop3A_322 = arith.addi %parallel_loop3A_301, %parallel_loop3A_321 : i32
        %parallel_loop3A_323 = arith.index_cast %parallel_loop3A_299 : i32 to index
        %parallel_loop3A_324 = arith.index_cast %parallel_loop3A_322 : i32 to index
        %parallel_loop3A_325 = tpu.vector_load %arg6[%parallel_loop3A_323, %parallel_loop3A_324] {strides = array<i32>} : memref<128x512xf32, #tpu.memory_space<vmem>>, vector<16xf32>,
        tpu.vector_store %arg6[%parallel_loop3A_323, %parallel_loop3A_324], %parallel_loop3A_320 {strides = array<i32>} : memref<128x512xf32, #tpu.memory_space<vmem>>, vector<16xf32>,
        scf.yield %parallel_loop3A_295 : i32
      } {sc.loop_unroll_factor = 8 : i64, sc.parallel_access}
      %add3A_253 = arith.constant 0 : i32
      %add3A_254 = arith.addi %mul3A_29, %add3A_253 : i32
      %dma_start3A_255 = arith.constant 0 : i32
      %dma_start3A_256 = arith.constant 0 : i32
      %dma_start3A_257 = arith.constant 0 : i32
      %dma_start3A_258 = arith.constant 0 : i32
      %dma_start3A_259 = tpu.memref_slice %arg6[%dma_start3A_257, %dma_start3A_258] : memref<128x512xf32, #tpu.memory_space<vmem>> -> memref<64x512xf32, #tpu.memory_space<vmem>>
      %dma_start3A_260 = arith.constant 0 : i32
      %dma_start3A_261 = tpu.memref_slice %arg5[%add3A_78, %dma_start3A_255, %add3A_254, %dma_start3A_260] : memref<64x1x512x512xf32, #tpu.memory_space<hbm>> -> memref<1x1x64x512xf32, #tpu.memory_space<hbm>>
      %dma_start3A_262 = tpu.memref_squeeze %dma_start3A_261 : memref<1x1x64x512xf32, #tpu.memory_space<hbm>> -> memref<64x512xf32, #tpu.memory_space<hbm>>
      %dma_start3A_263 = tpu.memref_slice %arg13[%dma_start3A_256] : memref<2x!tpu.dma_semaphore, #tpu.memory_space<semaphore_mem>> -> memref<1x!tpu.dma_semaphore, #tpu.memory_space<semaphore_mem>>
      %dma_start3A_264 = tpu.memref_squeeze %dma_start3A_263 : memref<1x!tpu.dma_semaphore, #tpu.memory_space<semaphore_mem>> -> memref<!tpu.dma_semaphore, #tpu.memory_space<semaphore_mem>>
      %dma_start3A_265 = arith.constant 0 : i32
      %dma_start3A_266 = tpu.memref_slice %arg5[%add3A_78, %dma_start3A_255, %add3A_254, %dma_start3A_265] : memref<64x1x512x512xf32, #tpu.memory_space<hbm>> -> memref<1x1x64x512xf32, #tpu.memory_space<hbm>>
      %dma_start3A_267 = tpu.memref_squeeze %dma_start3A_266 : memref<1x1x64x512xf32, #tpu.memory_space<hbm>> -> memref<64x512xf32, #tpu.memory_space<hbm>>
      %dma_start3A_268 = arith.constant 0 : i32
      %dma_start3A_269 = arith.constant 0 : i32
      %dma_start3A_270 = tpu.memref_slice %arg6[%dma_start3A_268, %dma_start3A_269] : memref<128x512xf32, #tpu.memory_space<vmem>> -> memref<64x512xf32, #tpu.memory_space<vmem>>
      tpu.enqueue_dma source(%dma_start3A_270 : memref<64x512xf32, #tpu.memory_space<vmem>>) target(%dma_start3A_267 : memref<64x512xf32, #tpu.memory_space<hbm>>) target_semaphore(%dma_start3A_264 : memref<!tpu.dma_semaphore, #tpu.memory_space<semaphore_mem>>)
      %parallel_loop3A_271 = arith.constant 0 : i32
      %parallel_loop3A_272 = arith.constant 32768 : i32
      %parallel_loop3A_273 = arith.constant 32 : i32
      %parallel_loop3A_274 = arith.constant 0 : i32
      %parallel_loop3A_275 = scf.for %parallel_loop3A_294 = %parallel_loop3A_271 to %parallel_loop3A_272 step %parallel_loop3A_273 iter_args(%parallel_loop3A_295 = %parallel_loop3A_274) -> (i32)  : i32 {
        %parallel_loop3A_296 = arith.constant 9 : i32
        %parallel_loop3A_297 = arith.shrui %parallel_loop3A_294, %parallel_loop3A_296 : i32
        %parallel_loop3A_298 = arith.constant 64 : i32
        %parallel_loop3A_299 = arith.addi %parallel_loop3A_298, %parallel_loop3A_297 : i32
        %parallel_loop3A_300 = arith.constant 511 : i32
        %parallel_loop3A_301 = arith.andi %parallel_loop3A_294, %parallel_loop3A_300 : i32
        %parallel_loop3A_302 = arith.constant 0 : i32
        %parallel_loop3A_303 = arith.addi %parallel_loop3A_301, %parallel_loop3A_302 : i32
        %parallel_loop3A_304 = arith.index_cast %parallel_loop3A_299 : i32 to index
        %parallel_loop3A_305 = arith.index_cast %parallel_loop3A_303 : i32 to index
        %parallel_loop3A_306 = tpu.vector_load %arg6[%parallel_loop3A_304, %parallel_loop3A_305] {strides = array<i32>} : memref<128x512xf32, #tpu.memory_space<vmem>>, vector<16xf32>,
        %parallel_loop3A_307 = arith.mulf %parallel_loop3A_306, %div3A_241 : vector<16xf32>
        %parallel_loop3A_308 = arith.addf %parallel_loop3A_307, %sub3A_247 : vector<16xf32>
        %parallel_loop3A_309 = arith.constant 0 : i32
        %parallel_loop3A_310 = arith.addi %parallel_loop3A_301, %parallel_loop3A_309 : i32
        %parallel_loop3A_311 = arith.index_cast %parallel_loop3A_299 : i32 to index
        %parallel_loop3A_312 = arith.index_cast %parallel_loop3A_310 : i32 to index
        %parallel_loop3A_313 = tpu.vector_load %arg6[%parallel_loop3A_311, %parallel_loop3A_312] {strides = array<i32>} : memref<128x512xf32, #tpu.memory_space<vmem>>, vector<16xf32>,
        tpu.vector_store %arg6[%parallel_loop3A_311, %parallel_loop3A_312], %parallel_loop3A_308 {strides = array<i32>} : memref<128x512xf32, #tpu.memory_space<vmem>>, vector<16xf32>,
        %parallel_loop3A_314 = arith.constant 16 : i32
        %parallel_loop3A_315 = arith.addi %parallel_loop3A_301, %parallel_loop3A_314 : i32
        %parallel_loop3A_316 = arith.index_cast %parallel_loop3A_299 : i32 to index
        %parallel_loop3A_317 = arith.index_cast %parallel_loop3A_315 : i32 to index
        %parallel_loop3A_318 = tpu.vector_load %arg6[%parallel_loop3A_316, %parallel_loop3A_317] {strides = array<i32>} : memref<128x512xf32, #tpu.memory_space<vmem>>, vector<16xf32>,
        %parallel_loop3A_319 = arith.mulf %parallel_loop3A_318, %div3A_241 : vector<16xf32>
        %parallel_loop3A_320 = arith.addf %parallel_loop3A_319, %sub3A_247 : vector<16xf32>
        %parallel_loop3A_321 = arith.constant 16 : i32
        %parallel_loop3A_322 = arith.addi %parallel_loop3A_301, %parallel_loop3A_321 : i32
        %parallel_loop3A_323 = arith.index_cast %parallel_loop3A_299 : i32 to index
        %parallel_loop3A_324 = arith.index_cast %parallel_loop3A_322 : i32 to index
        %parallel_loop3A_325 = tpu.vector_load %arg6[%parallel_loop3A_323, %parallel_loop3A_324] {strides = array<i32>} : memref<128x512xf32, #tpu.memory_space<vmem>>, vector<16xf32>,
        tpu.vector_store %arg6[%parallel_loop3A_323, %parallel_loop3A_324], %parallel_loop3A_320 {strides = array<i32>} : memref<128x512xf32, #tpu.memory_space<vmem>>, vector<16xf32>,
        scf.yield %parallel_loop3A_295 : i32
      } {sc.loop_unroll_factor = 8 : i64, sc.parallel_access}
      %add3A_276 = arith.constant 64 : i32
      %add3A_277 = arith.addi %mul3A_29, %add3A_276 : i32
      %dma_start3A_278 = arith.constant 0 : i32
      %dma_start3A_279 = arith.constant 1 : i32
      %dma_start3A_280 = arith.constant 64 : i32
      %dma_start3A_281 = arith.constant 0 : i32
      %dma_start3A_282 = tpu.memref_slice %arg6[%dma_start3A_280, %dma_start3A_281] : memref<128x512xf32, #tpu.memory_space<vmem>> -> memref<64x512xf32, #tpu.memory_space<vmem>>
      %dma_start3A_283 = arith.constant 0 : i32
      %dma_start3A_284 = tpu.memref_slice %arg5[%add3A_78, %dma_start3A_278, %add3A_277, %dma_start3A_283] : memref<64x1x512x512xf32, #tpu.memory_space<hbm>> -> memref<1x1x64x512xf32, #tpu.memory_space<hbm>>
      %dma_start3A_285 = tpu.memref_squeeze %dma_start3A_284 : memref<1x1x64x512xf32, #tpu.memory_space<hbm>> -> memref<64x512xf32, #tpu.memory_space<hbm>>
      %dma_start3A_286 = tpu.memref_slice %arg13[%dma_start3A_279] : memref<2x!tpu.dma_semaphore, #tpu.memory_space<semaphore_mem>> -> memref<1x!tpu.dma_semaphore, #tpu.memory_space<semaphore_mem>>
      %dma_start3A_287 = tpu.memref_squeeze %dma_start3A_286 : memref<1x!tpu.dma_semaphore, #tpu.memory_space<semaphore_mem>> -> memref<!tpu.dma_semaphore, #tpu.memory_space<semaphore_mem>>
      %dma_start3A_288 = arith.constant 0 : i32
      %dma_start3A_289 = tpu.memref_slice %arg5[%add3A_78, %dma_start3A_278, %add3A_277, %dma_start3A_288] : memref<64x1x512x512xf32, #tpu.memory_space<hbm>> -> memref<1x1x64x512xf32, #tpu.memory_space<hbm>>
      %dma_start3A_290 = tpu.memref_squeeze %dma_start3A_289 : memref<1x1x64x512xf32, #tpu.memory_space<hbm>> -> memref<64x512xf32, #tpu.memory_space<hbm>>
      %dma_start3A_291 = arith.constant 64 : i32
      %dma_start3A_292 = arith.constant 0 : i32
      %dma_start3A_293 = tpu.memref_slice %arg6[%dma_start3A_291, %dma_start3A_292] : memref<128x512xf32, #tpu.memory_space<vmem>> -> memref<64x512xf32, #tpu.memory_space<vmem>>
      tpu.enqueue_dma source(%dma_start3A_293 : memref<64x512xf32, #tpu.memory_space<vmem>>) target(%dma_start3A_290 : memref<64x512xf32, #tpu.memory_space<hbm>>) target_semaphore(%dma_start3A_287 : memref<!tpu.dma_semaphore, #tpu.memory_space<semaphore_mem>>)
    }
    %scan3A_37 = arith.constant 8 : i32
    %dma_wait3A = arith.constant 0 : i32
    %dma_wait3A_38 = arith.constant 0 : i32
    %dma_wait3A_39 = arith.constant 0 : i32
    %dma_wait3A_40 = arith.constant 0 : i32
    %dma_wait3A_41 = arith.constant 0 : i32
    %dma_wait3A_42 = tpu.memref_slice %arg6[%dma_wait3A_40, %dma_wait3A_41] : memref<128x512xf32, #tpu.memory_space<vmem>> -> memref<64x512xf32, #tpu.memory_space<vmem>>
    %dma_wait3A_43 = arith.constant 0 : i32
    %dma_wait3A_44 = arith.constant 0 : i32
    %dma_wait3A_45 = tpu.memref_slice %arg5[%dma_wait3A, %dma_wait3A_38, %dma_wait3A_43, %dma_wait3A_44] : memref<64x1x512x512xf32, #tpu.memory_space<hbm>> -> memref<1x1x64x512xf32, #tpu.memory_space<hbm>>
    %dma_wait3A_46 = tpu.memref_squeeze %dma_wait3A_45 : memref<1x1x64x512xf32, #tpu.memory_space<hbm>> -> memref<64x512xf32, #tpu.memory_space<hbm>>
    %dma_wait3A_47 = tpu.memref_slice %arg13[%dma_wait3A_39] : memref<2x!tpu.dma_semaphore, #tpu.memory_space<semaphore_mem>> -> memref<1x!tpu.dma_semaphore, #tpu.memory_space<semaphore_mem>>
    %dma_wait3A_48 = tpu.memref_squeeze %dma_wait3A_47 : memref<1x!tpu.dma_semaphore, #tpu.memory_space<semaphore_mem>> -> memref<!tpu.dma_semaphore, #tpu.memory_space<semaphore_mem>>
    %dma_wait3A_49 = arith.constant 0 : i32
    %dma_wait3A_50 = arith.constant 0 : i32
    %dma_wait3A_51 = tpu.memref_slice %arg5[%dma_wait3A, %dma_wait3A_38, %dma_wait3A_49, %dma_wait3A_50] : memref<64x1x512x512xf32, #tpu.memory_space<hbm>> -> memref<1x1x64x512xf32, #tpu.memory_space<hbm>>
    %dma_wait3A_52 = tpu.memref_squeeze %dma_wait3A_51 : memref<1x1x64x512xf32, #tpu.memory_space<hbm>> -> memref<64x512xf32, #tpu.memory_space<hbm>>
    %dma_wait3A_53 = arith.constant 0 : i32
    %dma_wait3A_54 = arith.constant 0 : i32
    %dma_wait3A_55 = tpu.memref_slice %arg6[%dma_wait3A_53, %dma_wait3A_54] : memref<128x512xf32, #tpu.memory_space<vmem>> -> memref<64x512xf32, #tpu.memory_space<vmem>>
    tpu.wait_dma2 semaphore(%dma_wait3A_48 : memref<!tpu.dma_semaphore, #tpu.memory_space<semaphore_mem>>) src(%dma_wait3A_55 : memref<64x512xf32, #tpu.memory_space<vmem>>) dst(%dma_wait3A_52 : memref<64x512xf32, #tpu.memory_space<hbm>>)
    %dma_wait3A_56 = arith.constant 0 : i32
    %dma_wait3A_57 = arith.constant 0 : i32
    %dma_wait3A_58 = arith.constant 1 : i32
    %dma_wait3A_59 = arith.constant 64 : i32
    %dma_wait3A_60 = arith.constant 0 : i32
    %dma_wait3A_61 = tpu.memref_slice %arg6[%dma_wait3A_59, %dma_wait3A_60] : memref<128x512xf32, #tpu.memory_space<vmem>> -> memref<64x512xf32, #tpu.memory_space<vmem>>
    %dma_wait3A_62 = arith.constant 0 : i32
    %dma_wait3A_63 = arith.constant 0 : i32
    %dma_wait3A_64 = tpu.memref_slice %arg5[%dma_wait3A_56, %dma_wait3A_57, %dma_wait3A_62, %dma_wait3A_63] : memref<64x1x512x512xf32, #tpu.memory_space<hbm>> -> memref<1x1x64x512xf32, #tpu.memory_space<hbm>>
    %dma_wait3A_65 = tpu.memref_squeeze %dma_wait3A_64 : memref<1x1x64x512xf32, #tpu.memory_space<hbm>> -> memref<64x512xf32, #tpu.memory_space<hbm>>
    %dma_wait3A_66 = tpu.memref_slice %arg13[%dma_wait3A_58] : memref<2x!tpu.dma_semaphore, #tpu.memory_space<semaphore_mem>> -> memref<1x!tpu.dma_semaphore, #tpu.memory_space<semaphore_mem>>
    %dma_wait3A_67 = tpu.memref_squeeze %dma_wait3A_66 : memref<1x!tpu.dma_semaphore, #tpu.memory_space<semaphore_mem>> -> memref<!tpu.dma_semaphore, #tpu.memory_space<semaphore_mem>>
    %dma_wait3A_68 = arith.constant 0 : i32
    %dma_wait3A_69 = arith.constant 0 : i32
    %dma_wait3A_70 = tpu.memref_slice %arg5[%dma_wait3A_56, %dma_wait3A_57, %dma_wait3A_68, %dma_wait3A_69] : memref<64x1x512x512xf32, #tpu.memory_space<hbm>> -> memref<1x1x64x512xf32, #tpu.memory_space<hbm>>
    %dma_wait3A_71 = tpu.memref_squeeze %dma_wait3A_70 : memref<1x1x64x512xf32, #tpu.memory_space<hbm>> -> memref<64x512xf32, #tpu.memory_space<hbm>>
    %dma_wait3A_72 = arith.constant 64 : i32
    %dma_wait3A_73 = arith.constant 0 : i32
    %dma_wait3A_74 = tpu.memref_slice %arg6[%dma_wait3A_72, %dma_wait3A_73] : memref<128x512xf32, #tpu.memory_space<vmem>> -> memref<64x512xf32, #tpu.memory_space<vmem>>
    tpu.wait_dma2 semaphore(%dma_wait3A_67 : memref<!tpu.dma_semaphore, #tpu.memory_space<semaphore_mem>>) src(%dma_wait3A_74 : memref<64x512xf32, #tpu.memory_space<vmem>>) dst(%dma_wait3A_71 : memref<64x512xf32, #tpu.memory_space<hbm>>)
    return
  }
}

</mosaic_0001>

<sc_bundles>
// kernel: kernel.3.cloned.1.call-start
scs
__scs_entry_jumppad:
0x0: {  	(pc) =	sbr.rel $0x88, $3  }
0x1: {  	(tag) =	ssettag $0x0;
	lr =	simm.s32 $0x1  }
0x2: {  	[smem:$0x3F9E] =	sst lr;
	_ =	strace $0xD0000000  }
0x3: {  	_ = 	snop  }
0x4: {  	_ = 	snop  }
0x5: {  	_ = 	snop  }
0x6: {  	_ = 	snop  }
0x7: {  	_ = 	snop  }
__scs_overlays_trampoline_lowered:
0x8: {  	[smem:$0x3FAD] =	sst s0  }
0x9: {  	[smem:$0x3FAE] =	sst s1  }
0xa: {  	[smem:$0x3FAF] =	sst s2  }
0xb: {  	[smem:$0x3FB0] =	sst s3  }
0xc: {  	[smem:$0x3FB1] =	sst s4  }
0xd: {  	[smem:$0x3FB2] =	sst s5  }
0xe: {  	[smem:$0x3FB3] =	sst s6  }
0xf: {  	[smem:$0x3FB4] =	sst s7  }
0x10: {  	[smem:$0x3FB5] =	sst s8  }
0x11: {  	[smem:$0x3FB6] =	sst s9;
	s0 =	simm.s32 @!p0 $0x0  }
0x12: {  	s1 =	sld [smem:$0x3F9C];
	s0 =	simm.s32 @p0 $0x1  }
0x13: {  	[smem:$0x3FB7] =	sst s0;
	s0 =	simm.s32 @!p1 $0x0  }
0x14: {  	s2 =	sld [smem:$0x3F9B];
	s0 =	simm.s32 @p1 $0x1  }
0x15: {  	[smem:$0x3FB8] =	sst s0;
	s0 =	simm.s32 @!p2 $0x0  }
0x16: {  	s3 =	sld [smem:$0x3FDB];
	s0 =	simm.s32 @p2 $0x1  }
0x17: {  	s4 =	simm.s32 $0x1BF5;
	[smem:$0x3FBA] =	sst s0  }
0x18: {  	s0 =	sld [smem:$0x3F9D];
	_ =	swait.ge [sflag:s4], $0x0  }
0x19: {  	s7 =	sld [smem:$0x3F9E]  }
0x1a: {  	s8 =	sadd.s32 $0xFFFFE003, lr  }
0x1b: {  	s9 =	sadd.s32 $0xFFFFFEF7, lr;
	s5 =	simm.s32 $0xFFFFFFFF;
	p2 =	slt.u32 s8, $0xFFFFF086  }
0x1c: {  	p1 =	slt.u32 s9, $0xF7A;
	s5 =	simm.s32 @!p2 $0x0  }
0x1d: {  	s5 =	simm.s32 @p1 $0x1;
	p0 =	seq.s32 s7, s2  }
0x1e: {  	s7 =	smul.u32 @!p0 $0xF7A, s2;
	p2 =	seq.s32 @!p0 s5, $0x0  }
0x1f: {  	s9 =	smul.u32 $0xF7A, s1;
	s8 =	simm.s32 @!p0 $0x1BF5;
	p2 =	por !p2, p0  }
0x20: {  	[sflag:s8] =	ssyncset.s32 @!p0 $0xFFFFF086;
	s6 =	sadd.s32 @!p0 s3, s7;
	s7 =	simm.s32 @!p0 $0x108  }
0x21: {  	s3 =	sadd.s32 s3, s9;
	s6 =	sadd.s32 @!p0 $0x88, s6;
	s7 =	simm.s32 @p2 $0x1082  }
0x22: {  	[simem:s7], [sflag:s8] =	dma.local @!p0 [hbm:s6], $0xF7A  }
0x23: {  	s9 =	sor.u32 $0xD0000000, s2;
	s6 =	simm.s32 $0x108;
	_ =	swait.ge @!p0 [sflag:s8], $0x0  }
0x24: {  	s3 =	sadd.s32 $0x88, s3;
	s6 =	simm.s32 @!p1 $0x1082;
	[sflag:s4] =	ssyncset.s32 $0xFFFFF086  }
0x25: {  	[simem:s6], [sflag:s4] =	dma.local [hbm:s3], $0xF7A  }
0x26: {  	[smem:$0x3F9E] =	sst s1;
	(tag) =	ssettag s2;
	_ =	strace s9  }
0x27: {  	s1 =	sld [smem:$0x3FAE]  }
0x28: {  	s2 =	sld [smem:$0x3FAF]  }
0x29: {  	s4 =	sld [smem:$0x3FB1]  }
0x2a: {  	p0 =	seq.s32 s5, $0x0;
	s5 =	sld [smem:$0x3FB2]  }
0x2b: {  	s6 =	sld [smem:$0x3FB3]  }
0x2c: {  	s7 =	sld [smem:$0x3FB4]  }
0x2d: {  	s3 =	simm.s32 $0x108;
	s8 =	sld [smem:$0x3FB5]  }
0x2e: {  	s3 =	simm.s32 @!p0 $0x1082;
	s9 =	sld [smem:$0x3FB6]  }
0x2f: {  	lr =	sadd.s32 s0, s3;
	s0 =	sld [smem:$0x3FAD]  }
0x30: {  	s3 =	sld [smem:$0x3FB0]  }
0x31: {  	[smem:$0x3FB9] =	sst s10  }
0x32: {  	s10 =	sld [smem:$0x3FB7];
	_ =	sdelay $0x3  }
0x33: {  	p0 =	seq.s32 s10, $0x1;
	s10 =	sld [smem:$0x3FB9];
	_ =	sdelay $0x3  }
0x34: {  	[smem:$0x3FB9] =	sst s10  }
0x35: {  	s10 =	sld [smem:$0x3FB8];
	_ =	sdelay $0x3  }
0x36: {  	p1 =	seq.s32 s10, $0x1;
	s10 =	sld [smem:$0x3FB9];
	_ =	sdelay $0x3  }
0x37: {  	[smem:$0x3FB9] =	sst s10  }
0x38: {  	s10 =	sld [smem:$0x3FBA]  }
0x39: {  	_ = 	snop;
	(pc) =	sbr.ind lr, $3  }
0x3a: {  	_ = 	snop  }
0x3b: {  	_ = 	snop  }
0x3c: {  	p2 =	seq.s32 s10, $0x1;
	s10 =	sld [smem:$0x3FB9]  }
0x3d: {  	_ =	shalt  }
0x3e: {  	_ =	shalt  }
0x3f: {  	_ =	shalt  }
0x40: {  	_ =	shalt  }
0x41: {  	_ =	shalt  }
0x42: {  	_ =	shalt  }
0x43: {  	_ =	shalt  }
0x44: {  	_ =	shalt  }
0x45: {  	_ =	shalt  }
0x46: {  	_ =	shalt  }
0x47: {  	_ =	shalt  }
0x48: {  	_ =	shalt  }
0x49: {  	_ =	shalt  }
0x4a: {  	_ =	shalt  }
0x4b: {  	_ =	shalt  }
0x4c: {  	_ =	shalt  }
0x4d: {  	_ =	shalt  }
0x4e: {  	_ =	shalt  }
0x4f: {  	_ =	shalt  }
0x50: {  	_ =	shalt  }
0x51: {  	_ =	shalt  }
0x52: {  	_ =	shalt  }
0x53: {  	_ =	shalt  }
0x54: {  	_ =	shalt  }
0x55: {  	_ =	shalt  }
0x56: {  	_ =	shalt  }
0x57: {  	_ =	shalt  }
0x58: {  	_ =	shalt  }
0x59: {  	_ =	shalt  }
0x5a: {  	_ =	shalt  }
0x5b: {  	_ =	shalt  }
0x5c: {  	_ =	shalt  }
0x5d: {  	_ =	shalt  }
0x5e: {  	_ =	shalt  }
0x5f: {  	_ =	shalt  }
0x60: {  	_ =	shalt  }
0x61: {  	_ =	shalt  }
0x62: {  	_ =	shalt  }
0x63: {  	_ =	shalt  }
0x64: {  	_ =	shalt  }
0x65: {  	_ =	shalt  }
0x66: {  	_ =	shalt  }
0x67: {  	_ =	shalt  }
0x68: {  	_ =	shalt  }
0x69: {  	_ =	shalt  }
0x6a: {  	_ =	shalt  }
0x6b: {  	_ =	shalt  }
0x6c: {  	_ =	shalt  }
0x6d: {  	_ =	shalt  }
0x6e: {  	_ =	shalt  }
0x6f: {  	_ =	shalt  }
0x70: {  	_ =	shalt  }
0x71: {  	_ =	shalt  }
0x72: {  	_ =	shalt  }
0x73: {  	_ =	shalt  }
0x74: {  	_ =	shalt  }
0x75: {  	_ =	shalt  }
0x76: {  	_ =	shalt  }
0x77: {  	_ =	shalt  }
0x78: {  	_ =	shalt  }
0x79: {  	_ =	shalt  }
0x7a: {  	_ =	shalt  }
0x7b: {  	_ =	shalt  }
0x7c: {  	_ =	shalt  }
0x7d: {  	_ =	shalt  }
0x7e: {  	_ =	shalt  }
0x7f: {  	_ =	shalt  }
0x80: {  	_ =	shalt  }
0x81: {  	_ =	shalt  }
0x82: {  	_ =	shalt  }
0x83: {  	_ =	shalt  }
0x84: {  	_ =	shalt  }
0x85: {  	_ =	shalt  }
0x86: {  	_ =	shalt  }
0x87: {  	_ =	shalt  }
.Lfunc_end0:
.L_simem_size_0:
called_computation_lowered:
.L_overlay_start_0:
0x88: {  	s2 =	sld [smem:$0x3FD9]  }
0x89: {  	s3 =	sld [smem:$0x3FFE];
	_ =	sdelay $0x1  }
0x8a: {  	s1 =	srdreg.scid  }
0x8b: {  	s0 =	sand.u32 $0x1, s1  }
0x8c: {  	s17 =	sshll.u32 s0, $0xA;
	s2 =	sadd.s32 s3, s2  }
0x8d: {  	s2 =	sadd.s32 s2, s17  }
0x8e: {  	[smem:$0x3FC5] =	sst s2  }
0x8f: {  	_ = 	snop  }
0x90: {  	s2 =	sld [smem:$0x3FC9]  }
0x91: {  	s18 =	sld [smem:$0x3FD0];
	(tm) =	ssettm $0x1  }
0x92: {  	s4 =	sld [smem:$0x3FFB];
	_ =	sdelay $0x3  }
0x93: {  	_ =	strace s4  }
0x94: {  	s4 =	sld [smem:$0x3FFC];
	_ =	sdelay $0x3  }
0x95: {  	_ =	strace s4  }
0x96: {  	s4 =	sld [smem:$0x3FFD];
	_ =	sdelay $0x3  }
0x97: {  	_ =	strace s4  }
0x98: {  	_ =	strace $0x8FFFFFFF  }
0x99: {  	s19 =	sld [smem:$0x3FDB];
	_ =	sdelay $0x1  }
0x9a: {  	s5 =	simm.s32 $_scs_section_size  }
0x9b: {  	s6 =	simm.s32 $_size__tile_overlayer_lowered;
	s7 =	simm.s32 $_tile_overlayer_lowered  }
0x9c: {  	s22 =	simm.s32 $0x1BFF;
	s21 =	sshll.u32 s7, $0x1;
	s4 =	sadd.s32 s5, s19  }
0x9d: {  	s8 =	simm.s32 $0x0;
	s20 =	sshll.u32 s6, $0x1;
	s6 =	sadd.s32 s21, s4  }
0x9e: {  	[timem:s8], [sflag:s22] =	dma.local [hbm:s6], s20  }
0x9f: {  	_ =	swait.ge [sflag:s22], s20  }
0xa0: {  	s5 =	ssub.s32 $0x0, s20;
	[sflag:s22] =	ssyncset.done $0x0  }
0xa1: {  	[sflag:s22] =	ssyncadd.s32 s5;
	_ =	sdelay $0x1  }
0xa2: {  	s23 =	simm.s32 $0x1B8B  }
0xa3: {  	_ =	swait.ge [sflag:s23], $0x1  }
0xa4: {  	[sflag:s23] =	ssyncset.done $0x0  }
0xa5: {  	s25 =	simm.s32 $0x1B8E;
	s24 =	sld [smem:$0x3FFE];
	[sflag:s23] =	ssyncadd.s32 $0xFFFFFFFF  }
0xa6: {  	s26 =	simm.s32 $execute0_lowered;
	[smem:$0x3FD2] =	sst s25  }
0xa7: {  	s6 =	sshll.u32 s26, $0x1;
	_ =	strace $0x80000046;
	[dreg:$0x1] =	wrdreg $0xFFFFFFFF  }
0xa8: {  	s28 =	simm.s32 $_size_execute0_lowered;
	s4 =	sadd.s32 s4, s6;
	[dreg:$0x0] =	wrdreg $0x0  }
0xa9: {  	s6 =	sshll.u32 s28, $0x1;
	[dreg:$0x2] =	wrdreg s4  }
0xaa: {  	[dreg:$0x3] =	wrdreg s6  }
0xab: {  	[dreg:$0x4] =	wrdreg $0xC0  }
0xac: {  	_ =	task [dreg:s8], $0x5FFFF  }
0xad: {  	[dreg:$0x1] =	wrdreg $0xFFFFFFFF  }
0xae: {  	[dreg:$0x0] =	wrdreg $0x60  }
0xaf: {  	[dreg:$0x2] =	wrdreg s2  }
0xb0: {  	[dreg:$0x3] =	wrdreg s24  }
0xb1: {  	[dreg:$0x4] =	wrdreg s18  }
0xb2: {  	[dreg:$0x5] =	wrdreg $0x148800  }
0xb3: {  	[dreg:$0x6] =	wrdreg $0x9  }
0xb4: {  	_ =	task.clear_ibuf [dreg:s8], $0x7FFFF;
	_ =	strace $0x90000046  }
0xb5: {  	s29 =	simm.s32 $0x9;
	_ =	strace $0x80000048  }
0xb6: {  	_ =	swait.ge [sflag:s29], $0x1  }
0xb7: {  	[sflag:s29] =	ssyncadd.s32 $0xFFFFFFFF  }
0xb8: {  	_ =	strace $0x90000048  }
0xb9: {  	_ =	sfence  }
0xba: {  	s30 =	sld [smem:$0x0];
	_ =	sdelay $0x2  }
0xbb: {  	s31 =	sshll.u32 s1, $0xD;
	s1 =	sshrl.u32 s1, $0x2  }
0xbc: {  	s3 =	sand.u32 $0x4000, s31;
	s1 =	sadd.s32 s1, s30  }
0xbd: {  	s0 =	sor.u32 s3, s0;
	s1 =	sshll.u32 s1, $0x11  }
0xbe: {  	s0 =	sor.u32 s1, s0  }
0xbf: {  	s0 =	sadd.s32 $0x8F2B, s0  }
0xc0: {  	[sflag:s0] =	ssyncadd.remote.s32 $0x1  }
0xc1: {  	_ =	sfence.sel $0xFFFF  }
0xc2: {  	[dreg:$0x0] =	wrdreg $0xFFFFFFFF;
	(pc) =	sbr.abs _section_cstart, $3  }
0xc3: {  	[dreg:$0x1] =	wrdreg $0xFFFFFFFF  }
0xc4: {  	_ =	task.clear_ibuf [dreg:s8], $0x2FFFF;
	_ =	strace $0x9FFFFFFF  }
0xc5: {  	(tm) =	ssettm $0x7FFFFFFF  }
tec
execute0_lowered:
.L_overlay_start_1:
0x0: {  	(tag) =	ssettag $0x1  }
0x1: {  	s1 =	rddreg [dreg:$0x0]  }
0x2: {  	s0 =	rddreg [dreg:$0x1]  }
0x3: {  	s2 =	rddreg [dreg:$0x2]  }
0x4: {  	s3 =	rddreg [dreg:$0x3]  }
0x5: {  	s4 =	simm.s32 $0x0;
	s5 =	srdreg.scid;
	s29 =	stileid.u32  }
0x6: {  	s13 =	simm.s32 $0x10000;
	s14 =	simm.s32 $0x5;
	s15 =	simm.s32 $0x12000  }
0x7: {  	s16 =	simm.s32 $0x8000;
	s17 =	simm.s32 $0x1;
	s18 =	simm.s32 $0x2  }
0x8: {  	s19 =	simm.s32 $0x14000;
	s20 =	simm.s32 $0x14080;
	s21 =	simm.s32 $0x3  }
0x9: {  	s22 =	simm.s32 $0x4;
	s23 =	simm.s32 $0x0;
	[smem:$0x7FF] =	sst s4  }
0xa: {  	s9 =	sand.u32 $0x1, s5;
	s28 =	sadd.s32 $0xC00, s0;
	s7 =	sadd.s32 $0x1000, s0  }
0xb: {  	s10 =	sshll.u32 s29, $0x10;
	s11 =	sshrl.u32 s29, $0x2;
	s12 =	sshll.u32 s29, $0x7  }
0xc: {  	_ =	strace $0x80000047;
	[dreg:$0x5] =	wrdreg s28;
	s8 =	ssub.s32 $0x2, s9  }
0xd: {  	s9 =	sshll.u32 s9, $0x17;
	s31 =	sshll.u32 s11, $0x12;
	s30 =	sshrl.u32 s8, $0x1  }
0xe: {  	s11 =	sshll.u32 s11, $0x9;
	s9 =	sor.u32 s9, s31;
	s0 =	ssub.s32 s8, s30  }
0xf: {  	v0 =	vlaneseq.u32;
	s8 =	sand.u32 $0x30000, s10;
	s10 =	sadd.s32 s12, s3;
	s12 =	smax.u32 s0, $0x1  }
.LBB2_1:
0x10: {  	s0 =	rddreg [dreg:$0x5]  }
0x11: {  	[tilespmem:s13], [sflag:$0x5] =	stream.linear.gather [hbm4b:s0+s4], $0x2000, $0x38;
	[tilespmem:$0x14900] =	vst v63  }
0x12: {  	_ =	swait.ge [sflag:s14], $0x2000  }
0x13: {  	[sflag:s14] =	ssyncset.done $0x0  }
0x14: {  	[sflag:s14] =	ssyncadd.s32 $0xFFFFE000  }
0x15: {  	[tilespmem:s15], [sflag:$0x5] =	stream.linear.gather [hbm4b:s7+s4], $0x2000, $0x38;
	[tilespmem:$0x14900] =	vst v63  }
0x16: {  	_ =	swait.ge [sflag:s14], $0x2000  }
0x17: {  	[sflag:s14] =	ssyncset.done $0x0  }
0x18: {  	s24 =	simm.s32 $0x0;
	[sflag:s14] =	ssyncadd.s32 $0xFFFFE000  }
.LBB2_2:
0x19: {  	p0 =	seq.s32 s24, $0x0;
	s0 =	sshll.u32 s24, $0x14  }
0x1a: {  	s25 =	simm.s32 @!p0 $0x3;
	s0 =	sadd.s32 s9, s0  }
0x1b: {  	_ =	swait.ge @!p0 [sflag:s25], $0x8000;
	s0 =	sor.u32 s8, s0  }
0x1c: {  	[sflag:s25] =	ssyncset.done @!p0 $0x0;
	s26 =	sshrl.u32 s0, $0x3  }
0x1d: {  	[sflag:s25] =	ssyncadd.s32 @!p0 $0xFFFF8000;
	s0 =	sadd.s32 s1, s26  }
0x1e: {  	[tilespmem:s4], [sflag:$0x1] =	stream.linear.gather [hbm4b:s0+s4], $0x8000, $0x38;
	[tilespmem:$0x14900] =	vst v63  }
0x1f: {  	s0 =	simm.s32 @!p0 $0x4  }
0x20: {  	s29 =	simm.s32 $0x0;
	_ =	swait.ge @!p0 [sflag:s0], $0x8000  }
0x21: {  	s30 =	simm.s32 $0x0;
	s25 =	sor.u32 $0x1000, s26;
	[sflag:s0] =	ssyncset.done @!p0 $0x0  }
0x22: {  	s6 =	sand.u32 $0x2000, s29;
	s5 =	sadd.s32 s1, s25;
	[sflag:s0] =	ssyncadd.s32 @!p0 $0xFFFF8000  }
0x23: {  	[tilespmem:s16], [sflag:$0x2] =	stream.linear.gather [hbm4b:s5+s29], $0x8000, $0x38;
	[tilespmem:$0x14900] =	vst v63  }
0x24: {  	s28 =	sand.u32 $0x7000, s30;
	s0 =	sshrl.u32 s6, $0x2;
	_ =	swait.ge [sflag:s17], $0x8000  }
0x25: {  	s31 =	sand.u32 $0x380, s29;
	s0 =	sor.u32 s0, s28;
	[sflag:s17] =	ssyncset.done $0x0  }
0x26: {  	s28 =	sor.u32 s31, s0;
	[sflag:s17] =	ssyncadd.s32 $0xFFFF8000  }
0x27: {  	v1 =	vld [tilespmem:s28+$0x470]  }
0x28: {  	v3 =	vld [tilespmem:s28+$0x450]  }
0x29: {  	v2 =	vld [tilespmem:s28+$0x430]  }
0x2a: {  	v4 =	vld [tilespmem:s28+$0x410]  }
0x2b: {  	v7 =	vld [tilespmem:s28+$0x70]  }
0x2c: {  	v11 =	vld [tilespmem:s28+$0x50]  }
0x2d: {  	v13 =	vld [tilespmem:s28+$0x30]  }
0x2e: {  	v16 =	vld [tilespmem:s28+$0x10]  }
0x2f: {  	v14 =	vld [tilespmem:s28+$0x460]  }
0x30: {  	v12 =	vld [tilespmem:s28+$0x440]  }
0x31: {  	v15 =	vld [tilespmem:s28+$0x420]  }
0x32: {  	v10 =	vld [tilespmem:s28+$0x400];
	v6 =	vmul.f32 $2.555000000e+02, v1;
	v8 =	vmul.f32 $2.555000000e+02, v2  }
0x33: {  	v19 =	vld [tilespmem:s28+$0x60];
	v9 =	vmul.f32 $2.555000000e+02, v3;
	v21 =	vmul.f32 $2.555000000e+02, v7  }
0x34: {  	v18 =	vld [tilespmem:s28+$0x40];
	v22 =	vmul.f32 $2.555000000e+02, v4;
	v23 =	vmul.f32 $2.555000000e+02, v13  }
0x35: {  	v20 =	vld [tilespmem:s28+$0x0];
	v24 =	vmul.f32 $2.555000000e+02, v11;
	v25 =	vmul.f32 $2.555000000e+02, v16  }
0x36: {  	v17 =	vld [tilespmem:s28+$0x20];
	v26 =	vmul.f32 $2.555000000e+02, v14;
	v27 =	vmul.f32 $2.555000000e+02, v15  }
0x37: {  	v28 =	vmul.f32 $2.555000000e+02, v12;
	v29 =	vmul.f32 $2.555000000e+02, v10;
	v9 =	vadd.f32 $2.565000000e+02, v9  }
0x38: {  	v31 =	vmul.f32 $2.555000000e+02, v19;
	v6 =	vadd.f32 $2.565000000e+02, v6;
	v22 =	vadd.f32 $2.565000000e+02, v22  }
0x39: {  	v32 =	vmul.f32 $2.555000000e+02, v18;
	v8 =	vadd.f32 $2.565000000e+02, v8;
	v24 =	vadd.f32 $2.565000000e+02, v24  }
0x3a: {  	v36 =	vmul.f32 $2.555000000e+02, v20;
	v33 =	vadd.f32 $2.565000000e+02, v21;
	v34 =	vadd.f32 $2.565000000e+02, v25  }
0x3b: {  	v35 =	vmul.f32 $2.555000000e+02, v17;
	v23 =	vadd.f32 $2.565000000e+02, v23;
	v37 =	vadd.f32 $2.565000000e+02, v28  }
0x3c: {  	v38 =	vadd.f32 $2.565000000e+02, v26;
	v62 =	vadd.f32 $2.565000000e+02, v36;
	v25 =	vtrunc.f32 v9  }
0x3d: {  	v63 =	vadd.f32 $2.565000000e+02, v35;
	v28 =	vtrunc.f32 v6;
	v26 =	vtrunc.f32 v22  }
0x3e: {  	v9 =	vadd.f32 $2.565000000e+02, v27;
	v30 =	vtrunc.f32 v8;
	v21 =	vtrunc.f32 v24  }
0x3f: {  	v6 =	vadd.f32 $2.565000000e+02, v29;
	v24 =	vtrunc.f32 v33;
	v22 =	vtrunc.f32 v34  }
0x40: {  	v8 =	vadd.f32 $2.565000000e+02, v31;
	v23 =	vtrunc.f32 v23;
	v27 =	vtrunc.f32 v37  }
0x41: {  	v31 =	vadd.f32 $2.565000000e+02, v32;
	v29 =	vtrunc.f32 v38;
	v36 =	vtrunc.f32 v62  }
0x42: {  	v5 =	vimm.f32 $+Inf;
	v37 =	vtrunc.f32 v63;
	v34 =	vtrunc.f32 v6  }
0x43: {  	v38 =	vtrunc.f32 v9;
	v35 =	vtrunc.f32 v31;
	v6 =	vimm.f32 $-Inf  }
0x44: {  	s31 =	simm.s32 $0x2000;
	v39 =	vtrunc.f32 v8;
	v8 =	vimm.f32 $+Inf;
	v9 =	vimm.f32 $-Inf  }
.LBB2_3:
0x45: {  	s30 =	sadd.s32 $0x100, s30;
	s0 =	sand.u32 $0x2000, s31;
	v40 =	vcvt.f32.s32 v25;
	v41 =	vcvt.f32.s32 v28  }
0x46: {  	v42 =	vcvt.f32.s32 v26;
	v43 =	vcvt.f32.s32 v30;
	s29 =	sadd.s32 $0x40, s29;
	s5 =	sand.u32 $0x7000, s30;
	s0 =	sshrl.u32 s0, $0x2  }
0x47: {  	v33 =	vcvt.f32.s32 v21;
	v30 =	vcvt.f32.s32 v24;
	s6 =	sand.u32 $0x380, s29;
	p0 =	slt.u32 s30, $0x7F00;
	s0 =	sor.u32 s0, s5  }
0x48: {  	v31 =	vcvt.f32.s32 v22;
	v32 =	vcvt.f32.s32 v23;
	s0 =	sor.u32 s6, s0  }
0x49: {  	v21 =	vcvt.f32.s32 v27;
	v22 =	vcvt.f32.s32 v29;
	v28 =	vld [tilespmem:s0+$0x470]  }
0x4a: {  	v29 =	vcvt.f32.s32 v34;
	v24 =	vcvt.f32.s32 v38;
	v27 =	vld [tilespmem:s0+$0x450]  }
0x4b: {  	v34 =	vcvt.f32.s32 v35;
	v35 =	vcvt.f32.s32 v39;
	v26 =	vld [tilespmem:s0+$0x430]  }
0x4c: {  	v36 =	vcvt.f32.s32 v36;
	v37 =	vcvt.f32.s32 v37;
	vm0 =	vgt.s32 v22, $0x1;
	v25 =	vld [tilespmem:s0+$0x410]  }
0x4d: {  	vm1 =	vgt.s32 v24, $0x1;
	vm2 =	vgt.s32 v21, $0x1;
	v38 =	vnsel vm0, $0x1, v22;
	v23 =	vld [tilespmem:s0+$0x70]  }
0x4e: {  	vm0 =	vgt.s32 v29, $0x1;
	v39 =	vnsel vm2, $0x1, v21;
	v38 =	vmin.u32 v38, $0x1FF;
	v22 =	vld [tilespmem:s0+$0x50]  }
0x4f: {  	v44 =	vnsel vm1, $0x1, v24;
	v39 =	vmin.u32 v39, $0x1FF;
	v38 =	vshll.u32 v38, $0x4;
	v21 =	vld [tilespmem:s0+$0x30]  }
0x50: {  	v44 =	vmin.u32 v44, $0x1FF;
	v39 =	vshll.u32 v39, $0x4;
	v38 =	vor.u32 v0, v38;
	v24 =	vld [tilespmem:s0+$0x10]  }
0x51: {  	v29 =	vnsel vm0, $0x1, v29;
	v44 =	vshll.u32 v44, $0x4;
	v39 =	vor.u32 v0, v39;
	v45 =	vld [tilespmem:s0+$0x460]  }
0x52: {  	vm0 =	vgt.s32 v35, $0x1;
	v29 =	vmin.u32 v29, $0x1FF;
	v44 =	vor.u32 v0, v44;
	v46 =	vld [tilespmem:s0+$0x440]  }
0x53: {  	vm4 =	vgt.s32 v41, $0x1;
	v35 =	vnsel vm0, $0x1, v35;
	v29 =	vshll.u32 v29, $0x4;
	v47 =	vld [tilespmem:s0+$0x420]  }
0x54: {  	vm0 =	vgt.s32 v34, $0x1;
	v35 =	vmin.u32 v35, $0x1FF;
	v29 =	vor.u32 v0, v29;
	v48 =	vld [tilespmem:s0+$0x400]  }
0x55: {  	vm5 =	vgt.s32 v40, $0x1;
	v34 =	vnsel vm0, $0x1, v34;
	v35 =	vshll.u32 v35, $0x4;
	v49 =	vld.idx.msk [tilespmem:v38+s13+$0x0], $0xffff  }
0x56: {  	vm0 =	vgt.s32 v37, $0x1;
	v34 =	vmin.u32 v34, $0x1FF;
	v35 =	vor.u32 v0, v35;
	v50 =	vld.idx.msk [tilespmem:v39+s13+$0x0], $0xffff  }
0x57: {  	vm6 =	vgt.s32 v43, $0x1;
	v37 =	vnsel vm0, $0x1, v37;
	v34 =	vshll.u32 v34, $0x4;
	v51 =	vld.idx.msk [tilespmem:v44+s13+$0x0], $0xffff  }
0x58: {  	vm0 =	vgt.s32 v36, $0x1;
	v37 =	vmin.u32 v37, $0x1FF;
	v34 =	vor.u32 v0, v34;
	v38 =	vld.idx.msk [tilespmem:v38+s15+$0x0], $0xffff  }
0x59: {  	vm7 =	vgt.s32 v42, $0x1;
	v36 =	vnsel vm0, $0x1, v36;
	v37 =	vshll.u32 v37, $0x4;
	v52 =	vld.idx.msk [tilespmem:v29+s13+$0x0], $0xffff  }
0x5a: {  	vm3 =	vgt.s32 v30, $0x1;
	v36 =	vmin.u32 v36, $0x1FF;
	v37 =	vor.u32 v0, v37;
	v39 =	vld.idx.msk [tilespmem:v39+s15+$0x0], $0xffff  }
0x5b: {  	vm2 =	vgt.s32 v33, $0x1;
	vm0 =	vgt.s32 v32, $0x1;
	v36 =	vshll.u32 v36, $0x4;
	v53 =	vld.idx.msk [tilespmem:v35+s13+$0x0], $0xffff  }
0x5c: {  	vm1 =	vgt.s32 v31, $0x1;
	v41 =	vnsel vm4, $0x1, v41;
	v36 =	vor.u32 v0, v36;
	v44 =	vld.idx.msk [tilespmem:v44+s15+$0x0], $0xffff  }
0x5d: {  	v42 =	vnsel vm7, $0x1, v42;
	v43 =	vnsel vm6, $0x1, v43;
	v40 =	vnsel vm5, $0x1, v40;
	v54 =	vld.idx.msk [tilespmem:v34+s13+$0x0], $0xffff  }
0x5e: {  	v40 =	vmin.u32 v40, $0x1FF;
	v41 =	vmin.u32 v41, $0x1FF;
	v55 =	vld.idx.msk [tilespmem:v29+s15+$0x0], $0xffff;
	v29 =	vmin.u32 v43, $0x1FF  }
0x5f: {  	v42 =	vmin.u32 v42, $0x1FF;
	v40 =	vshll.u32 v40, $0x4;
	v41 =	vshll.u32 v41, $0x4;
	v43 =	vld.idx.msk [tilespmem:v37+s13+$0x0], $0xffff  }
0x60: {  	v41 =	vor.u32 v0, v41;
	v38 =	vmul.f32 v38, v14;
	v14 =	vmovc v45;
	v29 =	vshll.u32 v29, $0x4;
	v35 =	vld.idx.msk [tilespmem:v35+s15+$0x0], $0xffff  }
0x61: {  	v42 =	vshll.u32 v42, $0x4;
	v40 =	vor.u32 v0, v40;
	v39 =	vmul.f32 v39, v12;
	v12 =	vmovc v46;
	v45 =	vld.idx.msk [tilespmem:v36+s13+$0x0], $0xffff  }
0x62: {  	v46 =	vor.u32 v0, v29;
	v29 =	vadd.f32 v38, v49;
	v44 =	vmul.f32 v44, v15;
	v34 =	vld.idx.msk [tilespmem:v34+s15+$0x0], $0xffff  }
0x63: {  	v42 =	vor.u32 v0, v42;
	v38 =	vnsel vm3, $0x1, v30;
	v30 =	vadd.f32 v39, v50;
	v15 =	vmovc v47;
	v37 =	vld.idx.msk [tilespmem:v37+s15+$0x0], $0xffff  }
0x64: {  	v39 =	vnsel vm2, $0x1, v33;
	v47 =	vmul.f32 v55, v10;
	v33 =	vadd.f32 v44, v51;
	v36 =	vld.idx.msk [tilespmem:v36+s15+$0x0], $0xffff;
	[tilespmem:s28+$0x460] =	vst v29  }
0x65: {  	v31 =	vnsel vm1, $0x1, v31;
	v32 =	vnsel vm0, $0x1, v32;
	v38 =	vmin.u32 v38, $0x1FF;
	v10 =	vmovc v48;
	[tilespmem:s28+$0x440] =	vst v30;
	v44 =	vld.idx.msk [tilespmem:v41+s13+$0x0], $0xffff  }
0x66: {  	v32 =	vmin.u32 v32, $0x1FF;
	v39 =	vmin.u32 v39, $0x1FF;
	v47 =	vadd.f32 v47, v52;
	[tilespmem:s28+$0x420] =	vst v33;
	v48 =	vld.idx.msk [tilespmem:v40+s13+$0x0], $0xffff  }
0x67: {  	v31 =	vmin.u32 v31, $0x1FF;
	v38 =	vshll.u32 v38, $0x4;
	v39 =	vshll.u32 v39, $0x4;
	v49 =	vld.idx.msk [tilespmem:v46+s13+$0x0], $0xffff  }
0x68: {  	v32 =	vshll.u32 v32, $0x4;
	v19 =	vmul.f32 v35, v19;
	v35 =	vor.u32 v0, v38;
	[tilespmem:s28+$0x400] =	vst v47;
	v38 =	vld.idx.msk [tilespmem:v41+s15+$0x0], $0xffff  }
0x69: {  	v31 =	vshll.u32 v31, $0x4;
	v18 =	vmul.f32 v34, v18;
	v34 =	vor.u32 v0, v39;
	v39 =	vld.idx.msk [tilespmem:v42+s13+$0x0], $0xffff  }
0x6a: {  	v32 =	vor.u32 v0, v32;
	v17 =	vmul.f32 v37, v17;
	v37 =	vadd.f32 v19, v53;
	v19 =	vld.idx.msk [tilespmem:v40+s15+$0x0], $0xffff  }
0x6b: {  	v31 =	vor.u32 v0, v31;
	v20 =	vmul.f32 v36, v20;
	v18 =	vadd.f32 v18, v54;
	v36 =	vld.idx.msk [tilespmem:v46+s15+$0x0], $0xffff  }
0x6c: {  	v40 =	vmul.f32 $2.555000000e+02, v28;
	v17 =	vadd.f32 v17, v43;
	[tilespmem:s28+$0x60] =	vst v37;
	v41 =	vld.idx.msk [tilespmem:v42+s15+$0x0], $0xffff  }
0x6d: {  	v43 =	vmul.f32 $2.555000000e+02, v27;
	v20 =	vadd.f32 v20, v45;
	v42 =	vmul.f32 $2.555000000e+02, v26;
	[tilespmem:s28+$0x40] =	vst v18;
	v45 =	vld.idx.msk [tilespmem:v35+s15+$0x0], $0xffff  }
0x6e: {  	v50 =	vmul.f32 $2.555000000e+02, v25;
	v46 =	vmul.f32 $2.555000000e+02, v23;
	[tilespmem:s28+$0x20] =	vst v17;
	v51 =	vld.idx.msk [tilespmem:v34+s15+$0x0], $0xffff  }
0x6f: {  	v52 =	vmul.f32 $2.555000000e+02, v21;
	v53 =	vmul.f32 $2.555000000e+02, v22;
	[tilespmem:s28+$0x0] =	vst v20;
	v54 =	vld.idx.msk [tilespmem:v32+s15+$0x0], $0xffff  }
0x70: {  	v56 =	vmul.f32 $2.555000000e+02, v14;
	v55 =	vmul.f32 $2.555000000e+02, v24;
	v57 =	vld.idx.msk [tilespmem:v31+s15+$0x0], $0xffff  }
0x71: {  	v59 =	vmul.f32 $2.555000000e+02, v12;
	v58 =	vmul.f32 $2.555000000e+02, v15;
	v35 =	vld.idx.msk [tilespmem:v35+s13+$0x0], $0xffff  }
0x72: {  	v60 =	vmul.f32 $2.555000000e+02, v10;
	v43 =	vadd.f32 $2.565000000e+02, v43;
	v40 =	vadd.f32 $2.565000000e+02, v40;
	v34 =	vld.idx.msk [tilespmem:v34+s13+$0x0], $0xffff  }
0x73: {  	v5 =	vmin.f32 v5, v20;
	v38 =	vmul.f32 v38, v1;
	v19 =	vmul.f32 v19, v3;
	v31 =	vld.idx.msk [tilespmem:v31+s13+$0x0], $0xffff  }
0x74: {  	v61 =	vmin.f32 v5, v17;
	v4 =	vmul.f32 v41, v4;
	v5 =	vld.idx.msk [tilespmem:v32+s13+$0x0], $0xffff;
	v32 =	vmul.f32 v36, v2  }
0x75: {  	v1 =	vmovc v28;
	v61 =	vmin.f32 v61, v18;
	v7 =	vmul.f32 v45, v7;
	v11 =	vmul.f32 v51, v11  }
0x76: {  	v3 =	vmovc v27;
	v41 =	vmin.f32 v61, v37;
	v13 =	vmul.f32 v54, v13;
	v16 =	vmul.f32 v57, v16  }
0x77: {  	v28 =	vadd.f32 v19, v48;
	v27 =	vmin.f32 v41, v47;
	v36 =	vadd.f32 v38, v44;
	v2 =	vmovc v26  }
0x78: {  	v19 =	vmin.f32 v27, v33;
	v26 =	vadd.f32 v4, v39;
	v4 =	vmovc v25;
	v27 =	vadd.f32 v32, v49  }
0x79: {  	v19 =	vmin.f32 v19, v30;
	v7 =	vadd.f32 v7, v35;
	v16 =	vadd.f32 v16, v31;
	[tilespmem:s28+$0x450] =	vst v28  }
0x7a: {  	v11 =	vadd.f32 v11, v34;
	v13 =	vadd.f32 v13, v5;
	v5 =	vmin.f32 v19, v29;
	[tilespmem:s28+$0x410] =	vst v26  }
0x7b: {  	v6 =	vmax.f32 v6, v20;
	v8 =	vmin.f32 v8, v16;
	v9 =	vmax.f32 v9, v16;
	[tilespmem:s28+$0x10] =	vst v16  }
0x7c: {  	v6 =	vmax.f32 v6, v17;
	v8 =	vmin.f32 v8, v13;
	v9 =	vmax.f32 v9, v13;
	[tilespmem:s28+$0x30] =	vst v13  }
0x7d: {  	v6 =	vmax.f32 v6, v18;
	v8 =	vmin.f32 v8, v11;
	v9 =	vmax.f32 v9, v11;
	[tilespmem:s28+$0x50] =	vst v11  }
0x7e: {  	v6 =	vmax.f32 v6, v37;
	v8 =	vmin.f32 v8, v7;
	v19 =	vld [tilespmem:s0+$0x60];
	[tilespmem:s28+$0x70] =	vst v7;
	v7 =	vmax.f32 v9, v7  }
0x7f: {  	v6 =	vmax.f32 v6, v47;
	v8 =	vmin.f32 v8, v26;
	v18 =	vld [tilespmem:s0+$0x40];
	v13 =	vmax.f32 v7, v26;
	[tilespmem:s28+$0x430] =	vst v27  }
0x80: {  	v6 =	vmax.f32 v6, v33;
	v8 =	vmin.f32 v8, v27;
	v17 =	vld [tilespmem:s0+$0x20];
	v13 =	vmax.f32 v13, v27;
	[tilespmem:s28+$0x470] =	vst v36;
	s28 =	smov.u32 s0  }
0x81: {  	v6 =	vmax.f32 v6, v30;
	v8 =	vmin.f32 v8, v28;
	v20 =	vld [tilespmem:s28+$0x0];
	v9 =	vmax.f32 v13, v28;
	v7 =	vmovc v23  }
0x82: {  	v6 =	vmax.f32 v6, v29;
	v11 =	vmovc v22;
	v8 =	vmin.f32 v8, v36;
	v9 =	vmax.f32 v9, v36  }
0x83: {  	v16 =	vmovc v24;
	v27 =	vadd.f32 $2.565000000e+02, v42;
	v23 =	vadd.f32 $2.565000000e+02, v50;
	v22 =	vmul.f32 $2.555000000e+02, v19;
	v13 =	vmovc v21  }
0x84: {  	v24 =	vadd.f32 $2.565000000e+02, v46;
	v21 =	vadd.f32 $2.565000000e+02, v53;
	v29 =	vmul.f32 $2.555000000e+02, v18  }
0x85: {  	v33 =	vadd.f32 $2.565000000e+02, v52;
	v31 =	vadd.f32 $2.565000000e+02, v55;
	v32 =	vmul.f32 $2.555000000e+02, v17  }
0x86: {  	v35 =	vadd.f32 $2.565000000e+02, v59;
	v36 =	vadd.f32 $2.565000000e+02, v56;
	v34 =	vmul.f32 $2.555000000e+02, v20  }
0x87: {  	v37 =	vadd.f32 $2.565000000e+02, v58;
	v25 =	vtrunc.f32 v43;
	v28 =	vtrunc.f32 v40  }
0x88: {  	v38 =	vadd.f32 $2.565000000e+02, v60;
	v30 =	vtrunc.f32 v27;
	v26 =	vtrunc.f32 v23  }
0x89: {  	v24 =	vtrunc.f32 v24;
	v21 =	vtrunc.f32 v21;
	v39 =	vadd.f32 $2.565000000e+02, v22  }
.Ltmp0:
0x8a: {  	v23 =	vtrunc.f32 v33;
	v22 =	vtrunc.f32 v31;
	v31 =	vadd.f32 $2.565000000e+02, v29;
	(pc) =	sbr.rel @p0 .LBB2_3-.Ltmp0, $4  }
0x8b: {  	v27 =	vtrunc.f32 v35;
	v29 =	vtrunc.f32 v36;
	v32 =	vadd.f32 $2.565000000e+02, v32  }
0x8c: {  	v33 =	vadd.f32 $2.565000000e+02, v34;
	v34 =	vtrunc.f32 v38;
	v38 =	vtrunc.f32 v37  }
0x8d: {  	v39 =	vtrunc.f32 v39;
	v35 =	vtrunc.f32 v31  }
0x8e: {  	s31 =	sadd.s32 $0x2000, s31;
	v37 =	vtrunc.f32 v32;
	v36 =	vtrunc.f32 v33  }
0x8f: {  	v25 =	vcvt.f32.s32 v25;
	v28 =	vcvt.f32.s32 v28  }
0x90: {  	v26 =	vcvt.f32.s32 v26;
	v30 =	vcvt.f32.s32 v30  }
0x91: {  	v31 =	vcvt.f32.s32 v21;
	v21 =	vcvt.f32.s32 v24  }
0x92: {  	v22 =	vcvt.f32.s32 v22;
	v23 =	vcvt.f32.s32 v23  }
0x93: {  	v24 =	vcvt.f32.s32 v27;
	v27 =	vcvt.f32.s32 v29  }
0x94: {  	v29 =	vcvt.f32.s32 v34;
	v32 =	vcvt.f32.s32 v38  }
0x95: {  	v33 =	vcvt.f32.s32 v35;
	v58 =	vcvt.f32.s32 v39  }
0x96: {  	v59 =	vcvt.f32.s32 v36;
	v60 =	vcvt.f32.s32 v37  }
0x97: {  	vm0 =	vgt.s32 v27, $0x1;
	vm1 =	vgt.s32 v32, $0x1;
	vm2 =	vgt.s32 v24, $0x1  }
0x98: {  	vm8 =	vgt.s32 v29, $0x1;
	vm9 =	vgt.s32 v58, $0x1;
	vm4 =	vgt.s32 v28, $0x1  }
0x99: {  	vm10 =	vgt.s32 v33, $0x1;
	vm5 =	vgt.s32 v25, $0x1;
	v27 =	vnsel vm0, $0x1, v27  }
0x9a: {  	vm11 =	vgt.s32 v60, $0x1;
	v24 =	vnsel vm2, $0x1, v24;
	v27 =	vmin.u32 v27, $0x1FF  }
0x9b: {  	v32 =	vnsel vm1, $0x1, v32;
	v24 =	vmin.u32 v24, $0x1FF;
	v27 =	vshll.u32 v27, $0x4  }
0x9c: {  	v32 =	vmin.u32 v32, $0x1FF;
	v24 =	vshll.u32 v24, $0x4;
	v27 =	vor.u32 v0, v27  }
0x9d: {  	v29 =	vnsel vm8, $0x1, v29;
	v32 =	vshll.u32 v32, $0x4;
	v24 =	vor.u32 v0, v24  }
0x9e: {  	vm6 =	vgt.s32 v30, $0x1;
	v29 =	vmin.u32 v29, $0x1FF;
	v32 =	vor.u32 v0, v32  }
0x9f: {  	vm12 =	vgt.s32 v59, $0x1;
	vm7 =	vgt.s32 v26, $0x1;
	v29 =	vshll.u32 v29, $0x4  }
0xa0: {  	vm13 =	vgt.s32 v21, $0x1;
	v34 =	vnsel vm9, $0x1, v58;
	v29 =	vor.u32 v0, v29  }
0xa1: {  	vm14 =	vgt.s32 v23, $0x1;
	vm3 =	vgt.s32 v31, $0x1;
	v34 =	vmin.u32 v34, $0x1FF;
	v61 =	vld.idx.msk [tilespmem:v27+s13+$0x0], $0xffff  }
0xa2: {  	vm15 =	vgt.s32 v22, $0x1;
	v33 =	vnsel vm10, $0x1, v33;
	v34 =	vshll.u32 v34, $0x4;
	v62 =	vld.idx.msk [tilespmem:v24+s13+$0x0], $0xffff  }
0xa3: {  	v35 =	vnsel vm12, $0x1, v59;
	v33 =	vmin.u32 v33, $0x1FF;
	v34 =	vor.u32 v0, v34;
	v63 =	vld.idx.msk [tilespmem:v32+s13+$0x0], $0xffff  }
0xa4: {  	v36 =	vnsel vm11, $0x1, v60;
	v35 =	vmin.u32 v35, $0x1FF;
	v33 =	vshll.u32 v33, $0x4;
	v27 =	vld.idx.msk [tilespmem:v27+s15+$0x0], $0xffff  }
0xa5: {  	v36 =	vmin.u32 v36, $0x1FF;
	v35 =	vshll.u32 v35, $0x4;
	v33 =	vor.u32 v0, v33;
	v40 =	vld.idx.msk [tilespmem:v29+s13+$0x0], $0xffff  }
0xa6: {  	v28 =	vnsel vm4, $0x1, v28;
	v36 =	vshll.u32 v36, $0x4;
	v35 =	vor.u32 v0, v35;
	v24 =	vld.idx.msk [tilespmem:v24+s15+$0x0], $0xffff  }
0xa7: {  	v26 =	vnsel vm7, $0x1, v26;
	v30 =	vnsel vm6, $0x1, v30;
	v36 =	vor.u32 v0, v36;
	v32 =	vld.idx.msk [tilespmem:v32+s15+$0x0], $0xffff  }
0xa8: {  	v25 =	vnsel vm5, $0x1, v25;
	v37 =	vnsel vm13, $0x1, v21;
	v31 =	vnsel vm3, $0x1, v31;
	v41 =	vld.idx.msk [tilespmem:v34+s13+$0x0], $0xffff  }
0xa9: {  	v22 =	vnsel vm15, $0x1, v22;
	v23 =	vnsel vm14, $0x1, v23;
	v30 =	vmin.u32 v30, $0x1FF;
	v29 =	vld.idx.msk [tilespmem:v29+s15+$0x0], $0xffff  }
0xaa: {  	v25 =	vmin.u32 v25, $0x1FF;
	v28 =	vmin.u32 v28, $0x1FF;
	v26 =	vmin.u32 v26, $0x1FF;
	v42 =	vld.idx.msk [tilespmem:v33+s13+$0x0], $0xffff  }
0xab: {  	v44 =	vmin.u32 v37, $0x1FF;
	v23 =	vmin.u32 v23, $0x1FF;
	v25 =	vshll.u32 v25, $0x4;
	v43 =	vld.idx.msk [tilespmem:v35+s15+$0x0], $0xffff  }
0xac: {  	v28 =	vshll.u32 v28, $0x4;
	v45 =	vld.idx.msk [tilespmem:v36+s15+$0x0], $0xffff;
	v12 =	vmul.f32 v24, v12;
	v24 =	vor.u32 v0, v25  }
0xad: {  	v30 =	vshll.u32 v30, $0x4;
	v14 =	vmul.f32 v27, v14;
	v27 =	vor.u32 v0, v28;
	v28 =	vld.idx.msk [tilespmem:v36+s13+$0x0], $0xffff  }
0xae: {  	v26 =	vshll.u32 v26, $0x4;
	v25 =	vld.idx.msk [tilespmem:v34+s15+$0x0], $0xffff;
	v10 =	vmul.f32 v29, v10;
	v21 =	vadd.f32 v12, v62  }
0xaf: {  	v30 =	vor.u32 v0, v30;
	v32 =	vmul.f32 v32, v15;
	v15 =	vadd.f32 v14, v61;
	v14 =	vld.idx.msk [tilespmem:v35+s13+$0x0], $0xffff  }
0xb0: {  	v31 =	vmin.u32 v31, $0x1FF;
	v26 =	vor.u32 v0, v26;
	v12 =	vld.idx.msk [tilespmem:v33+s15+$0x0], $0xffff;
	v46 =	vadd.f32 v10, v40;
	[tilespmem:s28+$0x440] =	vst v21  }
0xb1: {  	v22 =	vmin.u32 v22, $0x1FF;
	v23 =	vshll.u32 v23, $0x4;
	v29 =	vadd.f32 v32, v63;
	[tilespmem:s28+$0x460] =	vst v15;
	v10 =	vld.idx.msk [tilespmem:v24+s13+$0x0], $0xffff  }
0xb2: {  	v22 =	vshll.u32 v22, $0x4;
	v23 =	vor.u32 v0, v23;
	v17 =	vmul.f32 v45, v17;
	[tilespmem:s28+$0x400] =	vst v46;
	v47 =	vld.idx.msk [tilespmem:v27+s15+$0x0], $0xffff  }
0xb3: {  	v31 =	vshll.u32 v31, $0x4;
	v22 =	vor.u32 v0, v22;
	v33 =	vshll.u32 v44, $0x4;
	[tilespmem:s28+$0x420] =	vst v29;
	v24 =	vld.idx.msk [tilespmem:v24+s15+$0x0], $0xffff  }
0xb4: {  	v19 =	vmul.f32 v25, v19;
	v25 =	vor.u32 v0, v33;
	v48 =	vld.idx.msk [tilespmem:v30+s15+$0x0], $0xffff;
	v17 =	vadd.f32 v17, v28  }
0xb5: {  	v20 =	vmul.f32 v43, v20;
	v12 =	vmul.f32 v12, v18;
	v18 =	vor.u32 v0, v31;
	v31 =	vld.idx.msk [tilespmem:v26+s13+$0x0], $0xffff  }
0xb6: {  	v19 =	vadd.f32 v19, v41;
	v26 =	vld.idx.msk [tilespmem:v26+s15+$0x0], $0xffff;
	[tilespmem:s28+$0x20] =	vst v17  }
0xb7: {  	v14 =	vadd.f32 v20, v14;
	v50 =	vld.idx.msk [tilespmem:v23+s15+$0x0], $0xffff  }
0xb8: {  	v23 =	vld.idx.msk [tilespmem:v23+s13+$0x0], $0xffff;
	[tilespmem:s28+$0x60] =	vst v19  }
0xb9: {  	[tilespmem:s28+$0x0] =	vst v14;
	v20 =	vld.idx.msk [tilespmem:v25+s15+$0x0], $0xffff  }
0xba: {  	v12 =	vadd.f32 v12, v42;
	v49 =	vld.idx.msk [tilespmem:v22+s15+$0x0], $0xffff  }
0xbb: {  	v22 =	vld.idx.msk [tilespmem:v22+s13+$0x0], $0xffff  }
0xbc: {  	v3 =	vmul.f32 v24, v3;
	v24 =	vld.idx.msk [tilespmem:v25+s13+$0x0], $0xffff;
	[tilespmem:s28+$0x40] =	vst v12  }
0xbd: {  	v28 =	vld.idx.msk [tilespmem:v18+s15+$0x0], $0xffff  }
0xbe: {  	v4 =	vmul.f32 v26, v4;
	v25 =	vadd.f32 v3, v10;
	v3 =	vld.idx.msk [tilespmem:v30+s13+$0x0], $0xffff  }
0xbf: {  	v18 =	vld.idx.msk [tilespmem:v18+s13+$0x0], $0xffff;
	v10 =	vmul.f32 v50, v13  }
0xc0: {  	v13 =	vadd.f32 v4, v31;
	v16 =	vmul.f32 v49, v16  }
0xc1: {  	v2 =	vmul.f32 v48, v2;
	v4 =	vld.idx.msk [tilespmem:v27+s13+$0x0], $0xffff;
	[tilespmem:s28+$0x450] =	vst v25;
	v10 =	vadd.f32 v10, v23  }
0xc2: {  	[tilespmem:s28+$0x410] =	vst v13;
	v11 =	vmul.f32 v28, v11;
	v16 =	vadd.f32 v16, v22  }
0xc3: {  	v7 =	vmul.f32 v20, v7;
	[tilespmem:s28+$0x30] =	vst v10;
	v20 =	vadd.f32 v2, v3  }
0xc4: {  	v1 =	vmul.f32 v47, v1;
	v11 =	vadd.f32 v11, v18;
	[tilespmem:s28+$0x10] =	vst v16  }
0xc5: {  	v18 =	vadd.f32 v7, v24;
	[tilespmem:s28+$0x430] =	vst v20  }
0xc6: {  	v30 =	vadd.f32 v1, v4;
	[tilespmem:s28+$0x50] =	vst v11  }
0xc7: {  	s29 =	simm.s32 $0x0;
	[tilespmem:s28+$0x70] =	vst v18  }
0xc8: {  	s30 =	simm.s32 $0x0;
	s0 =	sand.u32 $0x2000, s29;
	[tilespmem:s28+$0x470] =	vst v30  }
0xc9: {  	s5 =	sand.u32 $0x7000, s30;
	s0 =	sshrl.u32 s0, $0x2;
	v1 =	vmin.f32 v5, v14;
	_ =	swait.ge [sflag:s18], $0x8000  }
0xca: {  	s6 =	sand.u32 $0x380, s29;
	s0 =	sor.u32 s0, s5;
	v1 =	vmin.f32 v1, v17;
	[sflag:s18] =	ssyncset.done $0x0  }
0xcb: {  	v1 =	vmin.f32 v1, v12;
	s28 =	sor.u32 s6, s0;
	[sflag:s18] =	ssyncadd.s32 $0xFFFF8000  }
0xcc: {  	v2 =	vmin.f32 v1, v19;
	v1 =	vld [tilespmem:s28+$0x8470]  }
0xcd: {  	v2 =	vmin.f32 v2, v46;
	v3 =	vld [tilespmem:s28+$0x8450]  }
0xce: {  	v4 =	vmin.f32 v2, v29;
	v2 =	vld [tilespmem:s28+$0x8430]  }
0xcf: {  	v6 =	vmax.f32 v6, v14;
	v5 =	vmin.f32 v4, v21;
	v4 =	vld [tilespmem:s28+$0x8410]  }
0xd0: {  	v6 =	vmax.f32 v6, v17;
	v7 =	vld [tilespmem:s28+$0x8070]  }
0xd1: {  	v6 =	vmax.f32 v6, v12;
	v8 =	vmin.f32 v8, v16;
	v14 =	vmax.f32 v9, v16;
	v9 =	vld [tilespmem:s28+$0x8050]  }
0xd2: {  	v6 =	vmax.f32 v6, v19;
	v16 =	vmin.f32 v8, v10;
	v10 =	vmax.f32 v14, v10;
	v8 =	vld [tilespmem:s28+$0x8030]  }
0xd3: {  	v6 =	vmax.f32 v6, v46;
	v12 =	vmin.f32 v16, v11;
	v11 =	vmax.f32 v10, v11;
	v10 =	vld [tilespmem:s28+$0x8010]  }
0xd4: {  	v6 =	vmax.f32 v6, v29;
	v12 =	vmin.f32 v12, v18;
	v14 =	vmax.f32 v11, v18;
	v11 =	vld [tilespmem:s28+$0x8460]  }
0xd5: {  	v6 =	vmax.f32 v6, v21;
	v16 =	vmin.f32 v12, v13;
	v12 =	vld [tilespmem:s28+$0x8440]  }
0xd6: {  	v6 =	vmax.f32 v6, v15;
	v13 =	vmax.f32 v14, v13;
	v14 =	vld [tilespmem:s28+$0x8420];
	v22 =	vmul.f32 $2.555000000e+02, v1  }
0xd7: {  	v17 =	vmax.f32 v13, v20;
	v13 =	vld [tilespmem:s28+$0x8400];
	v23 =	vmul.f32 $2.555000000e+02, v2;
	v24 =	vmul.f32 $2.555000000e+02, v3  }
0xd8: {  	v16 =	vmin.f32 v16, v20;
	v19 =	vld [tilespmem:s28+$0x8060];
	v21 =	vmul.f32 $2.555000000e+02, v7;
	v26 =	vmul.f32 $2.555000000e+02, v4  }
0xd9: {  	v16 =	vmin.f32 v16, v25;
	v18 =	vld [tilespmem:s28+$0x8040];
	v27 =	vmul.f32 $2.555000000e+02, v8;
	v28 =	vmul.f32 $2.555000000e+02, v9  }
0xda: {  	v31 =	vmax.f32 v17, v25;
	v17 =	vld [tilespmem:s28+$0x8020];
	v25 =	vmul.f32 $2.555000000e+02, v10;
	v29 =	vmul.f32 $2.555000000e+02, v11  }
0xdb: {  	v20 =	vld [tilespmem:s28+$0x8000];
	v5 =	vmin.f32 v5, v15;
	v15 =	vmul.f32 $2.555000000e+02, v14;
	v51 =	vmul.f32 $2.555000000e+02, v12  }
0xdc: {  	v52 =	vmul.f32 $2.555000000e+02, v13;
	v24 =	vadd.f32 $2.565000000e+02, v24;
	v22 =	vadd.f32 $2.565000000e+02, v22  }
0xdd: {  	v53 =	vmul.f32 $2.555000000e+02, v19;
	v54 =	vadd.f32 $2.565000000e+02, v26;
	v23 =	vadd.f32 $2.565000000e+02, v23  }
0xde: {  	v55 =	vmul.f32 $2.555000000e+02, v18;
	v56 =	vadd.f32 $2.565000000e+02, v28;
	v57 =	vadd.f32 $2.565000000e+02, v21  }
0xdf: {  	v59 =	vmul.f32 $2.555000000e+02, v17;
	v58 =	vadd.f32 $2.565000000e+02, v25;
	v60 =	vadd.f32 $2.565000000e+02, v27  }
0xe0: {  	v61 =	vmul.f32 $2.555000000e+02, v20;
	v32 =	vadd.f32 $2.565000000e+02, v51;
	v43 =	vadd.f32 $2.565000000e+02, v29  }
0xe1: {  	v15 =	vadd.f32 $2.565000000e+02, v15;
	v25 =	vtrunc.f32 v24;
	v26 =	vtrunc.f32 v22  }
0xe2: {  	v33 =	vadd.f32 $2.565000000e+02, v52;
	v27 =	vtrunc.f32 v54;
	v28 =	vtrunc.f32 v23  }
0xe3: {  	v44 =	vadd.f32 $2.565000000e+02, v53;
	v21 =	vtrunc.f32 v56;
	v24 =	vtrunc.f32 v57  }
0xe4: {  	v62 =	vadd.f32 $2.565000000e+02, v55;
	v22 =	vtrunc.f32 v58;
	v23 =	vtrunc.f32 v60  }
0xe5: {  	v40 =	vadd.f32 $2.565000000e+02, v59;
	v29 =	vtrunc.f32 v32;
	v34 =	vtrunc.f32 v43  }
0xe6: {  	v63 =	vadd.f32 $2.565000000e+02, v61;
	v35 =	vtrunc.f32 v33;
	v36 =	vtrunc.f32 v15  }
0xe7: {  	v15 =	vmin.f32 v16, v30;
	v37 =	vtrunc.f32 v62;
	v38 =	vtrunc.f32 v44  }
0xe8: {  	s31 =	simm.s32 $0x2000;
	v16 =	vmax.f32 v31, v30;
	v39 =	vtrunc.f32 v63;
	v40 =	vtrunc.f32 v40  }
.LBB2_5:
0xe9: {  	s30 =	sadd.s32 $0x100, s30;
	s0 =	sand.u32 $0x2000, s31;
	v41 =	vcvt.f32.s32 v25;
	v42 =	vcvt.f32.s32 v26  }
0xea: {  	v43 =	vcvt.f32.s32 v27;
	v44 =	vcvt.f32.s32 v28;
	s29 =	sadd.s32 $0x40, s29;
	s5 =	sand.u32 $0x7000, s30;
	s0 =	sshrl.u32 s0, $0x2  }
0xeb: {  	v33 =	vcvt.f32.s32 v21;
	v30 =	vcvt.f32.s32 v24;
	s6 =	sand.u32 $0x380, s29;
	p0 =	slt.u32 s30, $0x7F00;
	s0 =	sor.u32 s0, s5  }
0xec: {  	v31 =	vcvt.f32.s32 v22;
	v32 =	vcvt.f32.s32 v23;
	s0 =	sor.u32 s6, s0  }
0xed: {  	v21 =	vcvt.f32.s32 v29;
	v22 =	vcvt.f32.s32 v34;
	v28 =	vld [tilespmem:s0+$0x8470]  }
0xee: {  	v29 =	vcvt.f32.s32 v35;
	v24 =	vcvt.f32.s32 v36;
	v27 =	vld [tilespmem:s0+$0x8450]  }
0xef: {  	v34 =	vcvt.f32.s32 v37;
	v35 =	vcvt.f32.s32 v38;
	v26 =	vld [tilespmem:s0+$0x8430]  }
0xf0: {  	v36 =	vcvt.f32.s32 v39;
	v37 =	vcvt.f32.s32 v40;
	vm0 =	vgt.s32 v22, $0x1;
	v25 =	vld [tilespmem:s0+$0x8410]  }
0xf1: {  	vm1 =	vgt.s32 v24, $0x1;
	vm2 =	vgt.s32 v21, $0x1;
	v38 =	vnsel vm0, $0x1, v22;
	v23 =	vld [tilespmem:s0+$0x8070]  }
0xf2: {  	vm0 =	vgt.s32 v29, $0x1;
	v39 =	vnsel vm2, $0x1, v21;
	v38 =	vmin.u32 v38, $0x1FF;
	v22 =	vld [tilespmem:s0+$0x8050]  }
0xf3: {  	v40 =	vnsel vm1, $0x1, v24;
	v39 =	vmin.u32 v39, $0x1FF;
	v38 =	vshll.u32 v38, $0x4;
	v21 =	vld [tilespmem:s0+$0x8030]  }
0xf4: {  	v40 =	vmin.u32 v40, $0x1FF;
	v39 =	vshll.u32 v39, $0x4;
	v38 =	vor.u32 v0, v38;
	v24 =	vld [tilespmem:s0+$0x8010]  }
0xf5: {  	v29 =	vnsel vm0, $0x1, v29;
	v40 =	vshll.u32 v40, $0x4;
	v39 =	vor.u32 v0, v39;
	v45 =	vld [tilespmem:s0+$0x8460]  }
0xf6: {  	vm0 =	vgt.s32 v35, $0x1;
	v29 =	vmin.u32 v29, $0x1FF;
	v40 =	vor.u32 v0, v40;
	v46 =	vld [tilespmem:s0+$0x8440]  }
0xf7: {  	vm4 =	vgt.s32 v42, $0x1;
	v35 =	vnsel vm0, $0x1, v35;
	v29 =	vshll.u32 v29, $0x4;
	v47 =	vld [tilespmem:s0+$0x8420]  }
0xf8: {  	vm0 =	vgt.s32 v34, $0x1;
	v35 =	vmin.u32 v35, $0x1FF;
	v29 =	vor.u32 v0, v29;
	v48 =	vld [tilespmem:s0+$0x8400]  }
0xf9: {  	vm5 =	vgt.s32 v41, $0x1;
	v34 =	vnsel vm0, $0x1, v34;
	v35 =	vshll.u32 v35, $0x4;
	v49 =	vld.idx.msk [tilespmem:v38+s13+$0x0], $0xffff  }
0xfa: {  	vm0 =	vgt.s32 v37, $0x1;
	v34 =	vmin.u32 v34, $0x1FF;
	v35 =	vor.u32 v0, v35;
	v50 =	vld.idx.msk [tilespmem:v39+s13+$0x0], $0xffff  }
0xfb: {  	vm6 =	vgt.s32 v44, $0x1;
	v37 =	vnsel vm0, $0x1, v37;
	v34 =	vshll.u32 v34, $0x4;
	v51 =	vld.idx.msk [tilespmem:v40+s13+$0x0], $0xffff  }
0xfc: {  	vm0 =	vgt.s32 v36, $0x1;
	v37 =	vmin.u32 v37, $0x1FF;
	v34 =	vor.u32 v0, v34;
	v38 =	vld.idx.msk [tilespmem:v38+s15+$0x0], $0xffff  }
0xfd: {  	vm7 =	vgt.s32 v43, $0x1;
	v36 =	vnsel vm0, $0x1, v36;
	v37 =	vshll.u32 v37, $0x4;
	v52 =	vld.idx.msk [tilespmem:v29+s13+$0x0], $0xffff  }
0xfe: {  	vm3 =	vgt.s32 v30, $0x1;
	v36 =	vmin.u32 v36, $0x1FF;
	v37 =	vor.u32 v0, v37;
	v39 =	vld.idx.msk [tilespmem:v39+s15+$0x0], $0xffff  }
0xff: {  	vm2 =	vgt.s32 v33, $0x1;
	vm0 =	vgt.s32 v32, $0x1;
	v36 =	vshll.u32 v36, $0x4;
	v53 =	vld.idx.msk [tilespmem:v35+s13+$0x0], $0xffff  }
0x100: {  	vm1 =	vgt.s32 v31, $0x1;
	v42 =	vnsel vm4, $0x1, v42;
	v36 =	vor.u32 v0, v36;
	v40 =	vld.idx.msk [tilespmem:v40+s15+$0x0], $0xffff  }
0x101: {  	v43 =	vnsel vm7, $0x1, v43;
	v44 =	vnsel vm6, $0x1, v44;
	v41 =	vnsel vm5, $0x1, v41;
	v54 =	vld.idx.msk [tilespmem:v34+s13+$0x0], $0xffff  }
0x102: {  	v41 =	vmin.u32 v41, $0x1FF;
	v42 =	vmin.u32 v42, $0x1FF;
	v55 =	vld.idx.msk [tilespmem:v29+s15+$0x0], $0xffff;
	v29 =	vmin.u32 v44, $0x1FF  }
0x103: {  	v43 =	vmin.u32 v43, $0x1FF;
	v41 =	vshll.u32 v41, $0x4;
	v42 =	vshll.u32 v42, $0x4;
	v44 =	vld.idx.msk [tilespmem:v37+s13+$0x0], $0xffff  }
0x104: {  	v42 =	vor.u32 v0, v42;
	v38 =	vmul.f32 v38, v11;
	v11 =	vmovc v45;
	v29 =	vshll.u32 v29, $0x4;
	v35 =	vld.idx.msk [tilespmem:v35+s15+$0x0], $0xffff  }
0x105: {  	v43 =	vshll.u32 v43, $0x4;
	v41 =	vor.u32 v0, v41;
	v39 =	vmul.f32 v39, v12;
	v12 =	vmovc v46;
	v45 =	vld.idx.msk [tilespmem:v36+s13+$0x0], $0xffff  }
0x106: {  	v46 =	vor.u32 v0, v29;
	v29 =	vadd.f32 v38, v49;
	v40 =	vmul.f32 v40, v14;
	v34 =	vld.idx.msk [tilespmem:v34+s15+$0x0], $0xffff  }
0x107: {  	v43 =	vor.u32 v0, v43;
	v38 =	vnsel vm3, $0x1, v30;
	v30 =	vadd.f32 v39, v50;
	v14 =	vmovc v47;
	v37 =	vld.idx.msk [tilespmem:v37+s15+$0x0], $0xffff  }
0x108: {  	v39 =	vnsel vm2, $0x1, v33;
	v47 =	vmul.f32 v55, v13;
	v33 =	vadd.f32 v40, v51;
	v36 =	vld.idx.msk [tilespmem:v36+s15+$0x0], $0xffff;
	[tilespmem:s28+$0x8460] =	vst v29  }
0x109: {  	v31 =	vnsel vm1, $0x1, v31;
	v32 =	vnsel vm0, $0x1, v32;
	v38 =	vmin.u32 v38, $0x1FF;
	v13 =	vmovc v48;
	[tilespmem:s28+$0x8440] =	vst v30;
	v40 =	vld.idx.msk [tilespmem:v42+s13+$0x0], $0xffff  }
0x10a: {  	v32 =	vmin.u32 v32, $0x1FF;
	v39 =	vmin.u32 v39, $0x1FF;
	v47 =	vadd.f32 v47, v52;
	[tilespmem:s28+$0x8420] =	vst v33;
	v48 =	vld.idx.msk [tilespmem:v41+s13+$0x0], $0xffff  }
0x10b: {  	v31 =	vmin.u32 v31, $0x1FF;
	v38 =	vshll.u32 v38, $0x4;
	v39 =	vshll.u32 v39, $0x4;
	v49 =	vld.idx.msk [tilespmem:v46+s13+$0x0], $0xffff  }
0x10c: {  	v32 =	vshll.u32 v32, $0x4;
	v19 =	vmul.f32 v35, v19;
	v35 =	vor.u32 v0, v38;
	[tilespmem:s28+$0x8400] =	vst v47;
	v38 =	vld.idx.msk [tilespmem:v42+s15+$0x0], $0xffff  }
0x10d: {  	v31 =	vshll.u32 v31, $0x4;
	v18 =	vmul.f32 v34, v18;
	v34 =	vor.u32 v0, v39;
	v39 =	vld.idx.msk [tilespmem:v43+s13+$0x0], $0xffff  }
0x10e: {  	v32 =	vor.u32 v0, v32;
	v17 =	vmul.f32 v37, v17;
	v37 =	vadd.f32 v19, v53;
	v19 =	vld.idx.msk [tilespmem:v41+s15+$0x0], $0xffff  }
0x10f: {  	v31 =	vor.u32 v0, v31;
	v20 =	vmul.f32 v36, v20;
	v18 =	vadd.f32 v18, v54;
	v36 =	vld.idx.msk [tilespmem:v46+s15+$0x0], $0xffff  }
0x110: {  	v41 =	vmul.f32 $2.555000000e+02, v28;
	v17 =	vadd.f32 v17, v44;
	[tilespmem:s28+$0x8060] =	vst v37;
	v42 =	vld.idx.msk [tilespmem:v43+s15+$0x0], $0xffff  }
0x111: {  	v44 =	vmul.f32 $2.555000000e+02, v27;
	v20 =	vadd.f32 v20, v45;
	v43 =	vmul.f32 $2.555000000e+02, v26;
	[tilespmem:s28+$0x8040] =	vst v18;
	v45 =	vld.idx.msk [tilespmem:v35+s15+$0x0], $0xffff  }
0x112: {  	v50 =	vmul.f32 $2.555000000e+02, v25;
	v46 =	vmul.f32 $2.555000000e+02, v23;
	[tilespmem:s28+$0x8020] =	vst v17;
	v51 =	vld.idx.msk [tilespmem:v34+s15+$0x0], $0xffff  }
0x113: {  	v52 =	vmul.f32 $2.555000000e+02, v21;
	v53 =	vmul.f32 $2.555000000e+02, v22;
	[tilespmem:s28+$0x8000] =	vst v20;
	v54 =	vld.idx.msk [tilespmem:v32+s15+$0x0], $0xffff  }
0x114: {  	v56 =	vmul.f32 $2.555000000e+02, v11;
	v55 =	vmul.f32 $2.555000000e+02, v24;
	v57 =	vld.idx.msk [tilespmem:v31+s15+$0x0], $0xffff  }
0x115: {  	v59 =	vmul.f32 $2.555000000e+02, v12;
	v58 =	vmul.f32 $2.555000000e+02, v14;
	v35 =	vld.idx.msk [tilespmem:v35+s13+$0x0], $0xffff  }
0x116: {  	v60 =	vmul.f32 $2.555000000e+02, v13;
	v44 =	vadd.f32 $2.565000000e+02, v44;
	v41 =	vadd.f32 $2.565000000e+02, v41;
	v34 =	vld.idx.msk [tilespmem:v34+s13+$0x0], $0xffff  }
0x117: {  	v5 =	vmin.f32 v5, v20;
	v38 =	vmul.f32 v38, v1;
	v19 =	vmul.f32 v19, v3;
	v31 =	vld.idx.msk [tilespmem:v31+s13+$0x0], $0xffff  }
0x118: {  	v61 =	vmin.f32 v5, v17;
	v4 =	vmul.f32 v42, v4;
	v5 =	vld.idx.msk [tilespmem:v32+s13+$0x0], $0xffff;
	v32 =	vmul.f32 v36, v2  }
0x119: {  	v1 =	vmovc v28;
	v61 =	vmin.f32 v61, v18;
	v7 =	vmul.f32 v45, v7;
	v9 =	vmul.f32 v51, v9  }
0x11a: {  	v3 =	vmovc v27;
	v42 =	vmin.f32 v61, v37;
	v8 =	vmul.f32 v54, v8;
	v10 =	vmul.f32 v57, v10  }
0x11b: {  	v28 =	vadd.f32 v19, v48;
	v27 =	vmin.f32 v42, v47;
	v36 =	vadd.f32 v38, v40;
	v2 =	vmovc v26  }
0x11c: {  	v19 =	vmin.f32 v27, v33;
	v26 =	vadd.f32 v4, v39;
	v4 =	vmovc v25;
	v27 =	vadd.f32 v32, v49  }
0x11d: {  	v19 =	vmin.f32 v19, v30;
	v7 =	vadd.f32 v7, v35;
	v10 =	vadd.f32 v10, v31;
	[tilespmem:s28+$0x8450] =	vst v28  }
0x11e: {  	v9 =	vadd.f32 v9, v34;
	v8 =	vadd.f32 v8, v5;
	v5 =	vmin.f32 v19, v29;
	[tilespmem:s28+$0x8410] =	vst v26  }
0x11f: {  	v6 =	vmax.f32 v6, v20;
	v15 =	vmin.f32 v15, v10;
	[tilespmem:s28+$0x8010] =	vst v10;
	v10 =	vmax.f32 v16, v10  }
0x120: {  	v6 =	vmax.f32 v6, v17;
	v15 =	vmin.f32 v15, v8;
	[tilespmem:s28+$0x8030] =	vst v8;
	v8 =	vmax.f32 v10, v8  }
0x121: {  	v6 =	vmax.f32 v6, v18;
	v10 =	vmin.f32 v15, v9;
	[tilespmem:s28+$0x8050] =	vst v9;
	v8 =	vmax.f32 v8, v9  }
0x122: {  	v6 =	vmax.f32 v6, v37;
	v9 =	vmin.f32 v10, v7;
	v19 =	vld [tilespmem:s0+$0x8060];
	[tilespmem:s28+$0x8070] =	vst v7;
	v7 =	vmax.f32 v8, v7  }
0x123: {  	v6 =	vmax.f32 v6, v47;
	v8 =	vmin.f32 v9, v26;
	v18 =	vld [tilespmem:s0+$0x8040];
	v9 =	vmax.f32 v7, v26;
	[tilespmem:s28+$0x8430] =	vst v27  }
0x124: {  	v6 =	vmax.f32 v6, v33;
	v8 =	vmin.f32 v8, v27;
	v17 =	vld [tilespmem:s0+$0x8020];
	v10 =	vmax.f32 v9, v27;
	[tilespmem:s28+$0x8470] =	vst v36;
	s28 =	smov.u32 s0  }
0x125: {  	v6 =	vmax.f32 v6, v30;
	v25 =	vmin.f32 v8, v28;
	v20 =	vld [tilespmem:s28+$0x8000];
	v26 =	vmax.f32 v10, v28;
	v7 =	vmovc v23  }
0x126: {  	v6 =	vmax.f32 v6, v29;
	v15 =	vmin.f32 v25, v36;
	v16 =	vmax.f32 v26, v36;
	v9 =	vmovc v22  }
0x127: {  	v23 =	vadd.f32 $2.565000000e+02, v50;
	v28 =	vadd.f32 $2.565000000e+02, v43;
	v8 =	vmovc v21;
	v22 =	vmul.f32 $2.555000000e+02, v19;
	v10 =	vmovc v24  }
0x128: {  	v21 =	vadd.f32 $2.565000000e+02, v53;
	v24 =	vadd.f32 $2.565000000e+02, v46;
	v29 =	vmul.f32 $2.555000000e+02, v18  }
0x129: {  	v30 =	vadd.f32 $2.565000000e+02, v55;
	v32 =	vadd.f32 $2.565000000e+02, v52;
	v31 =	vmul.f32 $2.555000000e+02, v17  }
0x12a: {  	v35 =	vadd.f32 $2.565000000e+02, v56;
	v34 =	vadd.f32 $2.565000000e+02, v59;
	v33 =	vmul.f32 $2.555000000e+02, v20  }
0x12b: {  	v25 =	vtrunc.f32 v44;
	v36 =	vadd.f32 $2.565000000e+02, v58;
	v26 =	vtrunc.f32 v41  }
0x12c: {  	v37 =	vadd.f32 $2.565000000e+02, v60;
	v27 =	vtrunc.f32 v23;
	v28 =	vtrunc.f32 v28  }
0x12d: {  	v21 =	vtrunc.f32 v21;
	v38 =	vadd.f32 $2.565000000e+02, v22;
	v24 =	vtrunc.f32 v24  }
.Ltmp1:
0x12e: {  	v23 =	vtrunc.f32 v32;
	v22 =	vtrunc.f32 v30;
	v30 =	vadd.f32 $2.565000000e+02, v29;
	(pc) =	sbr.rel @p0 .LBB2_5-.Ltmp1, $4  }
0x12f: {  	v29 =	vtrunc.f32 v34;
	v34 =	vtrunc.f32 v35;
	v31 =	vadd.f32 $2.565000000e+02, v31  }
0x130: {  	v36 =	vtrunc.f32 v36;
	v35 =	vtrunc.f32 v37;
	v32 =	vadd.f32 $2.565000000e+02, v33  }
0x131: {  	v38 =	vtrunc.f32 v38;
	v37 =	vtrunc.f32 v30  }
0x132: {  	s31 =	sadd.s32 $0x2000, s31;
	v40 =	vtrunc.f32 v31;
	v39 =	vtrunc.f32 v32  }
0x133: {  	v25 =	vcvt.f32.s32 v25;
	v26 =	vcvt.f32.s32 v26  }
0x134: {  	v27 =	vcvt.f32.s32 v27;
	v28 =	vcvt.f32.s32 v28  }
0x135: {  	v21 =	vcvt.f32.s32 v21;
	v24 =	vcvt.f32.s32 v24  }
0x136: {  	v22 =	vcvt.f32.s32 v22;
	v23 =	vcvt.f32.s32 v23  }
0x137: {  	v29 =	vcvt.f32.s32 v29;
	v30 =	vcvt.f32.s32 v34  }
0x138: {  	v31 =	vcvt.f32.s32 v35;
	v32 =	vcvt.f32.s32 v36  }
0x139: {  	v33 =	vcvt.f32.s32 v37;
	v44 =	vcvt.f32.s32 v38  }
0x13a: {  	v45 =	vcvt.f32.s32 v39;
	v46 =	vcvt.f32.s32 v40;
	vm0 =	vgt.s32 v30, $0x1  }
0x13b: {  	vm1 =	vgt.s32 v32, $0x1;
	vm2 =	vgt.s32 v29, $0x1;
	vm8 =	vgt.s32 v31, $0x1  }
0x13c: {  	vm9 =	vgt.s32 v44, $0x1;
	vm10 =	vgt.s32 v26, $0x1;
	v30 =	vnsel vm0, $0x1, v30  }
0x13d: {  	vm11 =	vgt.s32 v33, $0x1;
	v29 =	vnsel vm2, $0x1, v29;
	v30 =	vmin.u32 v30, $0x1FF  }
0x13e: {  	v32 =	vnsel vm1, $0x1, v32;
	v29 =	vmin.u32 v29, $0x1FF;
	v30 =	vshll.u32 v30, $0x4  }
0x13f: {  	v32 =	vmin.u32 v32, $0x1FF;
	v29 =	vshll.u32 v29, $0x4;
	v30 =	vor.u32 v0, v30  }
0x140: {  	v31 =	vnsel vm8, $0x1, v31;
	v32 =	vshll.u32 v32, $0x4;
	v29 =	vor.u32 v0, v29  }
0x141: {  	vm5 =	vgt.s32 v25, $0x1;
	v31 =	vmin.u32 v31, $0x1FF;
	v32 =	vor.u32 v0, v32  }
0x142: {  	vm12 =	vgt.s32 v46, $0x1;
	v34 =	vnsel vm9, $0x1, v44;
	v31 =	vshll.u32 v31, $0x4  }
0x143: {  	vm6 =	vgt.s32 v28, $0x1;
	v34 =	vmin.u32 v34, $0x1FF;
	v31 =	vor.u32 v0, v31  }
0x144: {  	vm13 =	vgt.s32 v45, $0x1;
	v33 =	vnsel vm11, $0x1, v33;
	v34 =	vshll.u32 v34, $0x4;
	v47 =	vld.idx.msk [tilespmem:v30+s13+$0x0], $0xffff  }
0x145: {  	vm7 =	vgt.s32 v27, $0x1;
	v33 =	vmin.u32 v33, $0x1FF;
	v34 =	vor.u32 v0, v34;
	v48 =	vld.idx.msk [tilespmem:v29+s13+$0x0], $0xffff  }
0x146: {  	vm3 =	vgt.s32 v24, $0x1;
	v36 =	vnsel vm12, $0x1, v46;
	v33 =	vshll.u32 v33, $0x4;
	v49 =	vld.idx.msk [tilespmem:v32+s13+$0x0], $0xffff  }
0x147: {  	vm14 =	vgt.s32 v23, $0x1;
	v36 =	vmin.u32 v36, $0x1FF;
	v33 =	vor.u32 v0, v33;
	v30 =	vld.idx.msk [tilespmem:v30+s15+$0x0], $0xffff  }
0x148: {  	vm4 =	vgt.s32 v21, $0x1;
	v35 =	vnsel vm13, $0x1, v45;
	v36 =	vshll.u32 v36, $0x4;
	v50 =	vld.idx.msk [tilespmem:v31+s13+$0x0], $0xffff  }
0x149: {  	vm15 =	vgt.s32 v22, $0x1;
	v35 =	vmin.u32 v35, $0x1FF;
	v36 =	vor.u32 v0, v36;
	v29 =	vld.idx.msk [tilespmem:v29+s15+$0x0], $0xffff  }
0x14a: {  	v26 =	vnsel vm10, $0x1, v26;
	v27 =	vnsel vm7, $0x1, v27;
	v35 =	vshll.u32 v35, $0x4;
	v41 =	vld.idx.msk [tilespmem:v34+s13+$0x0], $0xffff  }
0x14b: {  	v28 =	vnsel vm6, $0x1, v28;
	v25 =	vnsel vm5, $0x1, v25;
	v35 =	vor.u32 v0, v35;
	v32 =	vld.idx.msk [tilespmem:v32+s15+$0x0], $0xffff  }
0x14c: {  	v24 =	vnsel vm3, $0x1, v24;
	v21 =	vnsel vm4, $0x1, v21;
	v22 =	vnsel vm15, $0x1, v22;
	v42 =	vld.idx.msk [tilespmem:v33+s13+$0x0], $0xffff  }
0x14d: {  	v28 =	vmin.u32 v28, $0x1FF;
	v25 =	vmin.u32 v25, $0x1FF;
	v26 =	vmin.u32 v26, $0x1FF;
	v31 =	vld.idx.msk [tilespmem:v31+s15+$0x0], $0xffff  }
0x14e: {  	v27 =	vmin.u32 v27, $0x1FF;
	v25 =	vshll.u32 v25, $0x4;
	v26 =	vshll.u32 v26, $0x4;
	v43 =	vld.idx.msk [tilespmem:v36+s13+$0x0], $0xffff  }
0x14f: {  	v28 =	vshll.u32 v28, $0x4;
	v26 =	vor.u32 v0, v26;
	v34 =	vld.idx.msk [tilespmem:v34+s15+$0x0], $0xffff;
	v11 =	vmul.f32 v30, v11  }
0x150: {  	v27 =	vshll.u32 v27, $0x4;
	v25 =	vor.u32 v0, v25;
	v51 =	vld.idx.msk [tilespmem:v35+s13+$0x0], $0xffff;
	v12 =	vmul.f32 v29, v12  }
0x151: {  	v28 =	vor.u32 v0, v28;
	v52 =	vld.idx.msk [tilespmem:v33+s15+$0x0], $0xffff;
	v14 =	vmul.f32 v32, v14;
	v11 =	vadd.f32 v11, v47  }
0x152: {  	v27 =	vor.u32 v0, v27;
	v53 =	vld.idx.msk [tilespmem:v36+s15+$0x0], $0xffff;
	v13 =	vmul.f32 v31, v13;
	v12 =	vadd.f32 v12, v48  }
0x153: {  	v23 =	vnsel vm14, $0x1, v23;
	v24 =	vmin.u32 v24, $0x1FF;
	v54 =	vld.idx.msk [tilespmem:v35+s15+$0x0], $0xffff;
	v14 =	vadd.f32 v14, v49;
	[tilespmem:s28+$0x8460] =	vst v11  }
0x154: {  	v23 =	vmin.u32 v23, $0x1FF;
	v21 =	vmin.u32 v21, $0x1FF;
	v13 =	vadd.f32 v13, v50;
	[tilespmem:s28+$0x8440] =	vst v12;
	v55 =	vld.idx.msk [tilespmem:v26+s13+$0x0], $0xffff  }
0x155: {  	v22 =	vmin.u32 v22, $0x1FF;
	v21 =	vshll.u32 v21, $0x4;
	v24 =	vshll.u32 v24, $0x4;
	[tilespmem:s28+$0x8420] =	vst v14;
	v56 =	vld.idx.msk [tilespmem:v25+s13+$0x0], $0xffff  }
0x156: {  	v23 =	vshll.u32 v23, $0x4;
	v24 =	vor.u32 v0, v24;
	v19 =	vmul.f32 v34, v19;
	[tilespmem:s28+$0x8400] =	vst v13;
	v57 =	vld.idx.msk [tilespmem:v28+s13+$0x0], $0xffff  }
0x157: {  	v22 =	vshll.u32 v22, $0x4;
	v21 =	vor.u32 v0, v21;
	v18 =	vmul.f32 v52, v18;
	v58 =	vld.idx.msk [tilespmem:v27+s13+$0x0], $0xffff  }
0x158: {  	v22 =	vor.u32 v0, v22;
	v20 =	vmul.f32 v54, v20;
	v19 =	vadd.f32 v19, v41;
	v25 =	vld.idx.msk [tilespmem:v25+s15+$0x0], $0xffff  }
0x159: {  	v23 =	vor.u32 v0, v23;
	v17 =	vmul.f32 v53, v17;
	v18 =	vadd.f32 v18, v42;
	v28 =	vld.idx.msk [tilespmem:v28+s15+$0x0], $0xffff  }
0x15a: {  	v20 =	vadd.f32 v20, v51;
	[tilespmem:s28+$0x8060] =	vst v19;
	v27 =	vld.idx.msk [tilespmem:v27+s15+$0x0], $0xffff  }
0x15b: {  	v17 =	vadd.f32 v17, v43;
	[tilespmem:s28+$0x8040] =	vst v18;
	v59 =	vld.idx.msk [tilespmem:v24+s15+$0x0], $0xffff  }
0x15c: {  	[tilespmem:s28+$0x8000] =	vst v20;
	v60 =	vld.idx.msk [tilespmem:v21+s15+$0x0], $0xffff  }
0x15d: {  	[tilespmem:s28+$0x8020] =	vst v17;
	v5 =	vmin.f32 v5, v20;
	v6 =	vmax.f32 v6, v20;
	v61 =	vld.idx.msk [tilespmem:v22+s15+$0x0], $0xffff  }
0x15e: {  	v62 =	vld.idx.msk [tilespmem:v23+s15+$0x0], $0xffff;
	v5 =	vmin.f32 v5, v17;
	v6 =	vmax.f32 v6, v17  }
0x15f: {  	v22 =	vld.idx.msk [tilespmem:v22+s13+$0x0], $0xffff;
	v5 =	vmin.f32 v5, v18;
	v6 =	vmax.f32 v6, v18  }
0x160: {  	v23 =	vld.idx.msk [tilespmem:v23+s13+$0x0], $0xffff;
	v5 =	vmin.f32 v5, v19;
	v6 =	vmax.f32 v6, v19  }
0x161: {  	v21 =	vld.idx.msk [tilespmem:v21+s13+$0x0], $0xffff;
	v5 =	vmin.f32 v5, v13;
	v6 =	vmax.f32 v6, v13  }
0x162: {  	v24 =	vld.idx.msk [tilespmem:v24+s13+$0x0], $0xffff;
	v5 =	vmin.f32 v5, v14;
	v3 =	vmul.f32 v25, v3;
	v10 =	vmul.f32 v61, v10  }
0x163: {  	v26 =	vld.idx.msk [tilespmem:v26+s15+$0x0], $0xffff;
	v6 =	vmax.f32 v6, v14;
	v4 =	vmul.f32 v27, v4;
	v8 =	vmul.f32 v62, v8  }
0x164: {  	v2 =	vmul.f32 v28, v2;
	v9 =	vmul.f32 v60, v9;
	v10 =	vadd.f32 v10, v22  }
0x165: {  	v7 =	vmul.f32 v59, v7;
	v3 =	vadd.f32 v3, v56;
	v8 =	vadd.f32 v8, v23  }
0x166: {  	v4 =	vadd.f32 v4, v58;
	v9 =	vadd.f32 v9, v21;
	v15 =	vmin.f32 v15, v10  }
0x167: {  	v7 =	vadd.f32 v7, v24;
	[tilespmem:s28+$0x8450] =	vst v3;
	v16 =	vmax.f32 v16, v10;
	v15 =	vmin.f32 v15, v8  }
0x168: {  	v1 =	vmul.f32 v26, v1;
	[tilespmem:s28+$0x8410] =	vst v4;
	v16 =	vmax.f32 v16, v8;
	v15 =	vmin.f32 v15, v9  }
0x169: {  	v2 =	vadd.f32 v2, v57;
	[tilespmem:s28+$0x8010] =	vst v10;
	v10 =	vmax.f32 v16, v9;
	v15 =	vmin.f32 v15, v7  }
0x16a: {  	v5 =	vmin.f32 v5, v12;
	[tilespmem:s28+$0x8030] =	vst v8;
	v8 =	vmax.f32 v10, v7;
	v10 =	vmin.f32 v15, v4  }
0x16b: {  	v1 =	vadd.f32 v1, v55;
	[tilespmem:s28+$0x8050] =	vst v9;
	v4 =	vmax.f32 v8, v4;
	v8 =	vmin.f32 v10, v2  }
0x16c: {  	v5 =	vmin.f32 v5, v11;
	[tilespmem:s28+$0x8070] =	vst v7;
	v4 =	vmax.f32 v4, v2;
	v7 =	vmin.f32 v8, v3  }
0x16d: {  	[tilespmem:s28+$0x8430] =	vst v2;
	v2 =	vmax.f32 v6, v12;
	v3 =	vmax.f32 v4, v3;
	v4 =	vmin.f32 v7, v1  }
0x16e: {  	[tilespmem:s28+$0x8470] =	vst v1;
	v2 =	vmax.f32 v2, v11;
	v1 =	vmax.f32 v3, v1;
	v3 =	vmin.f32 v5, v4  }
0x16f: {  	v1 =	vmax.f32 v2, v1;
	[tilespmem:$0x14000] =	vst v3  }
0x170: {  	[tilespmem:$0x14010] =	vst v1  }
0x171: {  	[spmem:s10] =	stream.linear.scatter [tilespmem:s19], [sflag:$0x5], $0x80, $0x38;
	[tilespmem:$0x14900] =	vst v63  }
0x172: {  	_ =	swait.ge [sflag:s14], $0x80  }
0x173: {  	[sflag:s14] =	ssyncset.done $0x0  }
0x174: {  	[sflag:s14] =	ssyncadd.s32 $0xFFFFFF80  }
0x175: {  	[bflag:$0x0] =	sbarrier.arrive $0xFFFF  }
0x176: {  	[tilespmem:s20], [sflag:$0x5] =	stream.linear.gather [spmem:s3], $0x800, $0x38;
	[tilespmem:$0x14900] =	vst v63  }
0x177: {  	_ =	swait.ge [sflag:s14], $0x800  }
0x178: {  	[sflag:s14] =	ssyncset.done $0x0  }
0x179: {  	[sflag:s14] =	ssyncadd.s32 $0xFFFFF800  }
0x17a: {  	v1 =	vld [tilespmem:s11+$0x14080]  }
0x17b: {  	v2 =	vld [tilespmem:s11+$0x14090]  }
0x17c: {  	v3 =	vld [tilespmem:s11+$0x14100]  }
0x17d: {  	v4 =	vld [tilespmem:s11+$0x14110]  }
0x17e: {  	v5 =	vld [tilespmem:s11+$0x14180]  }
0x17f: {  	v6 =	vld [tilespmem:s11+$0x14190]  }
0x180: {  	v7 =	vld [tilespmem:s11+$0x14200]  }
0x181: {  	v8 =	vld [tilespmem:s11+$0x14210];
	_ =	sdelay $0x1  }
0x182: {  	v1 =	vmin.f32 v1, v3  }
0x183: {  	v2 =	vmax.f32 v2, v4;
	v1 =	vmin.f32 v1, v5  }
0x184: {  	[bflag:$0x0] =	sbarrier.arrive $0xFFFF;
	v2 =	vmax.f32 v2, v6;
	v1 =	vmin.f32 v1, v7  }
0x185: {  	v2 =	vmax.f32 v2, v8;
	(xrf0) =	vmin.scan.msk.f32 $0xffff, v1  }
0x186: {  	(xrf0) =	vmax.scan.msk.f32 $0xffff, v2;
	_ =	sdelay $0x4  }
0x187: {  	v1, _, _ =	vpop (xrf0)  }
0x188: {  	v2, _, _ =	vpop (xrf0)  }
0x189: {  	v2 =	vsub.f32 v2, v1;
	_ =	sdelay $0x1  }
0x18a: {  	v2 =	vbroadcast v2, $0xF;
	_ =	sdelay $0x1  }
0x18b: {  	(erf) = vrcp.f32 v2;
	_ =	sdelay $0x3  }
0x18c: {  	s28 =	simm.s32 $0x0  }
0x18d: {  	s29 =	simm.s32 $0x0;
	s0 =	sand.u32 $0x2000, s28  }
0x18e: {  	s5 =	sand.u32 $0x7000, s29;
	s0 =	sshrl.u32 s0, $0x2  }
0x18f: {  	s6 =	sand.u32 $0x380, s28;
	s0 =	sor.u32 s0, s5  }
0x190: {  	s0 =	sor.u32 s6, s0;
	v2 =	vsub.f32 $0.0e+00, v1  }
0x191: {  	v3 =	vld [tilespmem:s0+$0x470];
	v1 =	vpop (erf)  }
0x192: {  	v4 =	vld [tilespmem:s0+$0x0];
	v2 =	vbroadcast v2, $0xF;
	v1 =	vadd.f32 v1, v1  }
0x193: {  	v5 =	vld [tilespmem:s0+$0x10]  }
0x194: {  	v6 =	vld [tilespmem:s0+$0x20];
	v2 =	vmul.f32 v1, v2  }
0x195: {  	v8 =	vld [tilespmem:s0+$0x30]  }
0x196: {  	v9 =	vld [tilespmem:s0+$0x40];
	v3 =	vmul.f32 v3, v1;
	v2 =	vadd.f32 $-1.000000000e+00, v2  }
0x197: {  	v63 =	vld [tilespmem:s0+$0x50];
	v4 =	vmul.f32 v4, v1  }
0x198: {  	v7 =	vld [tilespmem:s0+$0x60];
	v5 =	vmul.f32 v5, v1;
	v10 =	vadd.f32 v3, v2  }
0x199: {  	v11 =	vmul.f32 v6, v1;
	v6 =	vld [tilespmem:s0+$0x70];
	v4 =	vadd.f32 v4, v2  }
0x19a: {  	v8 =	vmul.f32 v8, v1;
	v5 =	vadd.f32 v5, v2;
	v3 =	vld [tilespmem:s0+$0x400];
	[tilespmem:s0+$0x470] =	vst v10  }
0x19b: {  	[tilespmem:s0+$0x0] =	vst v4;
	v10 =	vadd.f32 v11, v2;
	v4 =	vld [tilespmem:s0+$0x410];
	v11 =	vmul.f32 v9, v1  }
0x19c: {  	s30 =	simm.s32 $0x2000;
	v8 =	vadd.f32 v8, v2;
	[tilespmem:s0+$0x10] =	vst v5;
	v9 =	vmul.f32 v63, v1;
	v5 =	vld [tilespmem:s0+$0x420]  }
.LBB2_7:
0x19d: {  	s29 =	sadd.s32 $0x100, s29;
	s5 =	sand.u32 $0x2000, s30;
	[tilespmem:s0+$0x20] =	vst v10;
	v10 =	vadd.f32 v11, v2;
	v7 =	vmul.f32 v7, v1;
	v11 =	vld [tilespmem:s0+$0x430]  }
0x19e: {  	s28 =	sadd.s32 $0x40, s28;
	s6 =	sand.u32 $0x7000, s29;
	s5 =	sshrl.u32 s5, $0x2;
	[tilespmem:s0+$0x30] =	vst v8;
	v8 =	vadd.f32 v9, v2;
	v6 =	vmul.f32 v6, v1;
	v9 =	vld [tilespmem:s0+$0x440]  }
0x19f: {  	s31 =	sand.u32 $0x380, s28;
	p0 =	slt.u32 s29, $0x7F00;
	s5 =	sor.u32 s5, s6;
	[tilespmem:s0+$0x40] =	vst v10;
	v7 =	vadd.f32 v7, v2;
	v3 =	vmul.f32 v3, v1;
	v10 =	vld [tilespmem:s0+$0x450]  }
0x1a0: {  	s5 =	sor.u32 s31, s5;
	[tilespmem:s0+$0x50] =	vst v8;
	v6 =	vadd.f32 v6, v2;
	v4 =	vmul.f32 v4, v1;
	v8 =	vld [tilespmem:s0+$0x460]  }
0x1a1: {  	v12 =	vld [tilespmem:s5+$0x470];
	[tilespmem:s0+$0x60] =	vst v7;
	v3 =	vadd.f32 v3, v2;
	v5 =	vmul.f32 v5, v1  }
0x1a2: {  	v7 =	vld [tilespmem:s5+$0x0];
	[tilespmem:s0+$0x70] =	vst v6;
	v4 =	vadd.f32 v4, v2;
	v6 =	vmul.f32 v11, v1  }
0x1a3: {  	v11 =	vld [tilespmem:s5+$0x10];
	[tilespmem:s0+$0x400] =	vst v3;
	v3 =	vadd.f32 v5, v2;
	v5 =	vmul.f32 v9, v1  }
0x1a4: {  	v9 =	vld [tilespmem:s5+$0x20];
	[tilespmem:s0+$0x410] =	vst v4;
	v4 =	vadd.f32 v6, v2;
	v6 =	vmul.f32 v10, v1  }
0x1a5: {  	v10 =	vld [tilespmem:s5+$0x30];
	[tilespmem:s0+$0x420] =	vst v3;
	v3 =	vadd.f32 v5, v2;
	v5 =	vmul.f32 v8, v1  }
0x1a6: {  	v8 =	vld [tilespmem:s5+$0x40];
	v12 =	vmul.f32 v12, v1;
	[tilespmem:s0+$0x430] =	vst v4;
	v4 =	vadd.f32 v6, v2  }
0x1a7: {  	v6 =	vmul.f32 v7, v1;
	v13 =	vld [tilespmem:s5+$0x50];
	[tilespmem:s0+$0x440] =	vst v3;
	v3 =	vadd.f32 v5, v2  }
.Ltmp2:
0x1a8: {  	v5 =	vmul.f32 v11, v1;
	v7 =	vld [tilespmem:s5+$0x60];
	v11 =	vadd.f32 v12, v2;
	[tilespmem:s0+$0x450] =	vst v4;
	(pc) =	sbr.rel @p0 .LBB2_7-.Ltmp2, $4  }
0x1a9: {  	v4 =	vadd.f32 v6, v2;
	v9 =	vmul.f32 v9, v1;
	v6 =	vld [tilespmem:s5+$0x70];
	[tilespmem:s0+$0x460] =	vst v3;
	s0 =	smov.u32 s5  }
0x1aa: {  	v5 =	vadd.f32 v5, v2;
	v12 =	vmul.f32 v10, v1;
	v3 =	vld [tilespmem:s0+$0x400];
	[tilespmem:s0+$0x470] =	vst v11  }
0x1ab: {  	[tilespmem:s0+$0x0] =	vst v4;
	v10 =	vadd.f32 v9, v2;
	v11 =	vmul.f32 v8, v1;
	v4 =	vld [tilespmem:s0+$0x410]  }
0x1ac: {  	s30 =	sadd.s32 $0x2000, s30;
	[tilespmem:s0+$0x10] =	vst v5;
	v8 =	vadd.f32 v12, v2;
	v9 =	vmul.f32 v13, v1;
	v5 =	vld [tilespmem:s0+$0x420]  }
0x1ad: {  	[tilespmem:s0+$0x20] =	vst v10;
	v10 =	vadd.f32 v11, v2;
	v7 =	vmul.f32 v7, v1;
	v11 =	vld [tilespmem:s0+$0x430]  }
0x1ae: {  	[tilespmem:s0+$0x30] =	vst v8;
	v8 =	vadd.f32 v9, v2;
	v6 =	vmul.f32 v6, v1;
	v9 =	vld [tilespmem:s0+$0x440]  }
0x1af: {  	[tilespmem:s0+$0x40] =	vst v10;
	v7 =	vadd.f32 v7, v2;
	v3 =	vmul.f32 v3, v1;
	v10 =	vld [tilespmem:s0+$0x450]  }
0x1b0: {  	[tilespmem:s0+$0x50] =	vst v8;
	v6 =	vadd.f32 v6, v2;
	v4 =	vmul.f32 v4, v1;
	v8 =	vld [tilespmem:s0+$0x460]  }
0x1b1: {  	[tilespmem:s0+$0x60] =	vst v7;
	v3 =	vadd.f32 v3, v2;
	v5 =	vmul.f32 v5, v1  }
0x1b2: {  	[tilespmem:s0+$0x70] =	vst v6;
	v4 =	vadd.f32 v4, v2;
	v6 =	vmul.f32 v11, v1  }
0x1b3: {  	[tilespmem:s0+$0x400] =	vst v3;
	v3 =	vadd.f32 v5, v2;
	v5 =	vmul.f32 v9, v1  }
0x1b4: {  	[tilespmem:s0+$0x410] =	vst v4;
	v4 =	vadd.f32 v6, v2;
	v6 =	vmul.f32 v10, v1  }
0x1b5: {  	[tilespmem:s0+$0x420] =	vst v3;
	v3 =	vadd.f32 v5, v2;
	v5 =	vmul.f32 v8, v1  }
0x1b6: {  	[tilespmem:s0+$0x430] =	vst v4;
	v4 =	vadd.f32 v6, v2  }
0x1b7: {  	s30 =	sadd.s32 s2, s26;
	s26 =	simm.s32 $0x0;
	[tilespmem:s0+$0x440] =	vst v3;
	v3 =	vadd.f32 v5, v2  }
0x1b8: {  	s28 =	simm.s32 $0x0;
	s31 =	sand.u32 $0x2000, s26;
	[tilespmem:s0+$0x450] =	vst v4  }
0x1b9: {  	s5 =	sand.u32 $0x7000, s28;
	[tilespmem:s0+$0x460] =	vst v3;
	s0 =	sshrl.u32 s31, $0x2  }
0x1ba: {  	[hbm4b:s30+s26] =	stream.linear.scatter [tilespmem:s26], [sflag:$0x3], $0x8000, $0x38;
	[tilespmem:$0x14900] =	vst v63  }
0x1bb: {  	s6 =	sand.u32 $0x380, s26;
	s0 =	sor.u32 s0, s5  }
0x1bc: {  	s0 =	sor.u32 s6, s0  }
0x1bd: {  	v3 =	vld [tilespmem:s0+$0x8470]  }
0x1be: {  	v4 =	vld [tilespmem:s0+$0x8000]  }
0x1bf: {  	v5 =	vld [tilespmem:s0+$0x8010]  }
0x1c0: {  	v6 =	vld [tilespmem:s0+$0x8020]  }
0x1c1: {  	v8 =	vld [tilespmem:s0+$0x8030]  }
0x1c2: {  	v9 =	vld [tilespmem:s0+$0x8040];
	v3 =	vmul.f32 v3, v1  }
0x1c3: {  	v12 =	vld [tilespmem:s0+$0x8050];
	v4 =	vmul.f32 v4, v1  }
0x1c4: {  	v7 =	vld [tilespmem:s0+$0x8060];
	v5 =	vmul.f32 v5, v1;
	v10 =	vadd.f32 v3, v2  }
0x1c5: {  	v11 =	vmul.f32 v6, v1;
	v6 =	vld [tilespmem:s0+$0x8070];
	v4 =	vadd.f32 v4, v2  }
0x1c6: {  	v8 =	vmul.f32 v8, v1;
	v5 =	vadd.f32 v5, v2;
	v3 =	vld [tilespmem:s0+$0x8400];
	[tilespmem:s0+$0x8470] =	vst v10  }
0x1c7: {  	[tilespmem:s0+$0x8000] =	vst v4;
	v10 =	vadd.f32 v11, v2;
	v4 =	vld [tilespmem:s0+$0x8410];
	v11 =	vmul.f32 v9, v1  }
0x1c8: {  	s29 =	simm.s32 $0x2000;
	v8 =	vadd.f32 v8, v2;
	[tilespmem:s0+$0x8010] =	vst v5;
	v9 =	vmul.f32 v12, v1;
	v5 =	vld [tilespmem:s0+$0x8420]  }
.LBB2_9:
0x1c9: {  	s28 =	sadd.s32 $0x100, s28;
	s5 =	sand.u32 $0x2000, s29;
	[tilespmem:s0+$0x8020] =	vst v10;
	v10 =	vadd.f32 v11, v2;
	v7 =	vmul.f32 v7, v1;
	v11 =	vld [tilespmem:s0+$0x8430]  }
0x1ca: {  	s26 =	sadd.s32 $0x40, s26;
	s6 =	sand.u32 $0x7000, s28;
	s5 =	sshrl.u32 s5, $0x2;
	[tilespmem:s0+$0x8030] =	vst v8;
	v8 =	vadd.f32 v9, v2;
	v6 =	vmul.f32 v6, v1;
	v9 =	vld [tilespmem:s0+$0x8440]  }
0x1cb: {  	s30 =	sand.u32 $0x380, s26;
	p0 =	slt.u32 s28, $0x7F00;
	s5 =	sor.u32 s5, s6;
	[tilespmem:s0+$0x8040] =	vst v10;
	v7 =	vadd.f32 v7, v2;
	v3 =	vmul.f32 v3, v1;
	v10 =	vld [tilespmem:s0+$0x8450]  }
0x1cc: {  	s5 =	sor.u32 s30, s5;
	[tilespmem:s0+$0x8050] =	vst v8;
	v6 =	vadd.f32 v6, v2;
	v4 =	vmul.f32 v4, v1;
	v8 =	vld [tilespmem:s0+$0x8460]  }
0x1cd: {  	v12 =	vld [tilespmem:s5+$0x8470];
	[tilespmem:s0+$0x8060] =	vst v7;
	v3 =	vadd.f32 v3, v2;
	v5 =	vmul.f32 v5, v1  }
0x1ce: {  	v7 =	vld [tilespmem:s5+$0x8000];
	[tilespmem:s0+$0x8070] =	vst v6;
	v4 =	vadd.f32 v4, v2;
	v6 =	vmul.f32 v11, v1  }
0x1cf: {  	v11 =	vld [tilespmem:s5+$0x8010];
	[tilespmem:s0+$0x8400] =	vst v3;
	v3 =	vadd.f32 v5, v2;
	v5 =	vmul.f32 v9, v1  }
0x1d0: {  	v9 =	vld [tilespmem:s5+$0x8020];
	[tilespmem:s0+$0x8410] =	vst v4;
	v4 =	vadd.f32 v6, v2;
	v6 =	vmul.f32 v10, v1  }
0x1d1: {  	v10 =	vld [tilespmem:s5+$0x8030];
	[tilespmem:s0+$0x8420] =	vst v3;
	v3 =	vadd.f32 v5, v2;
	v5 =	vmul.f32 v8, v1  }
0x1d2: {  	v8 =	vld [tilespmem:s5+$0x8040];
	v12 =	vmul.f32 v12, v1;
	[tilespmem:s0+$0x8430] =	vst v4;
	v4 =	vadd.f32 v6, v2  }
0x1d3: {  	v6 =	vmul.f32 v7, v1;
	v13 =	vld [tilespmem:s5+$0x8050];
	[tilespmem:s0+$0x8440] =	vst v3;
	v3 =	vadd.f32 v5, v2  }
.Ltmp3:
0x1d4: {  	v5 =	vmul.f32 v11, v1;
	v7 =	vld [tilespmem:s5+$0x8060];
	v11 =	vadd.f32 v12, v2;
	[tilespmem:s0+$0x8450] =	vst v4;
	(pc) =	sbr.rel @p0 .LBB2_9-.Ltmp3, $4  }
0x1d5: {  	v4 =	vadd.f32 v6, v2;
	v9 =	vmul.f32 v9, v1;
	v6 =	vld [tilespmem:s5+$0x8070];
	[tilespmem:s0+$0x8460] =	vst v3;
	s0 =	smov.u32 s5  }
0x1d6: {  	v5 =	vadd.f32 v5, v2;
	v12 =	vmul.f32 v10, v1;
	v3 =	vld [tilespmem:s0+$0x8400];
	[tilespmem:s0+$0x8470] =	vst v11  }
0x1d7: {  	[tilespmem:s0+$0x8000] =	vst v4;
	v10 =	vadd.f32 v9, v2;
	v11 =	vmul.f32 v8, v1;
	v4 =	vld [tilespmem:s0+$0x8410]  }
0x1d8: {  	s29 =	sadd.s32 $0x2000, s29;
	[tilespmem:s0+$0x8010] =	vst v5;
	v8 =	vadd.f32 v12, v2;
	v9 =	vmul.f32 v13, v1;
	v5 =	vld [tilespmem:s0+$0x8420]  }
0x1d9: {  	v54 =	vld [tilespmem:s0+$0x8430]  }
0x1da: {  	[tilespmem:s0+$0x8020] =	vst v10;
	v53 =	vadd.f32 v11, v2;
	v7 =	vmul.f32 v7, v1;
	v56 =	vld [tilespmem:s0+$0x8440]  }
0x1db: {  	v57 =	vld [tilespmem:s0+$0x8450];
	[tilespmem:s0+$0x8030] =	vst v8;
	v55 =	vadd.f32 v9, v2;
	v6 =	vmul.f32 v6, v1  }
0x1dc: {  	v58 =	vld [tilespmem:s0+$0x8460];
	[tilespmem:s0+$0x8040] =	vst v53;
	v7 =	vadd.f32 v7, v2;
	v3 =	vmul.f32 v3, v1  }
0x1dd: {  	[tilespmem:s0+$0x8050] =	vst v55;
	v6 =	vadd.f32 v6, v2;
	v4 =	vmul.f32 v4, v1  }
0x1de: {  	[tilespmem:s0+$0x8060] =	vst v7;
	v3 =	vadd.f32 v3, v2;
	v5 =	vmul.f32 v5, v1  }
0x1df: {  	[tilespmem:s0+$0x8070] =	vst v6;
	v4 =	vadd.f32 v4, v2;
	v59 =	vmul.f32 v54, v1  }
0x1e0: {  	v62 =	vmul.f32 v57, v1;
	[tilespmem:s0+$0x8400] =	vst v3;
	v3 =	vadd.f32 v5, v2  }
0x1e1: {  	s24 =	sadd.s32 $0x1, s24;
	v60 =	vmul.f32 v56, v1;
	v1 =	vmul.f32 v58, v1;
	[tilespmem:s0+$0x8410] =	vst v4;
	v61 =	vadd.f32 v59, v2  }
0x1e2: {  	p0 =	sne.s32 s24, $0x8;
	v63 =	vadd.f32 v62, v2;
	[tilespmem:s0+$0x8420] =	vst v3  }
.Ltmp4:
0x1e3: {  	v1 =	vadd.f32 v1, v2;
	[tilespmem:s0+$0x8430] =	vst v61;
	(pc) =	sbr.rel @p0 .LBB2_2-.Ltmp4, $4  }
0x1e4: {  	v3 =	vadd.f32 v60, v2;
	[tilespmem:s0+$0x8450] =	vst v63  }
0x1e5: {  	[tilespmem:s0+$0x8460] =	vst v1  }
0x1e6: {  	s31 =	sadd.s32 s2, s25;
	[tilespmem:s0+$0x8440] =	vst v3  }
0x1e7: {  	[hbm4b:s31+s4] =	stream.linear.scatter [tilespmem:s16], [sflag:$0x4], $0x8000, $0x38;
	[tilespmem:$0x14900] =	vst v63  }
0x1e8: {  	s23 =	sadd.s32 $0x1, s23  }
0x1e9: {  	_ =	swait.ge [sflag:s21], $0x8000;
	p0 =	sne.s32 s23, s12  }
.Ltmp5:
0x1ea: {  	[sflag:s21] =	ssyncset.done $0x0;
	(pc) =	sbr.rel @p0 .LBB2_1-.Ltmp5, $4  }
0x1eb: {  	[sflag:s21] =	ssyncadd.s32 $0xFFFF8000  }
0x1ec: {  	_ =	swait.ge [sflag:s22], $0x8000  }
0x1ed: {  	[sflag:s22] =	ssyncset.done $0x0  }
0x1ee: {  	[sflag:s22] =	ssyncadd.s32 $0xFFFF8000  }
0x1ef: {  	_ =	sfence.sel $0x180000  }
0x1f0: {  	[bflag:$0x0] =	sbarrier.arrive $0xFFFF  }
0x1f1: {  	_ =	strace $0x90000047  }
0x1f2: {  	s0 =	stileid.u32;
	[bflag:$0x2] =	sbarrier.arrive $0xFFFF  }
0x1f3: {  	p0 =	sne.s32 s0, $0x0;
	s0 =	rddreg [dreg:$0x4]  }
0x1f4: {  	s0 =	sadd.s32 @!p0 $0x100000, s0  }
0x1f5: {  	[sflag:s0] =	ssyncadd.tile.s32 @!p0 $0x1;
	_ =	shalt  }
.Lfunc_end2:
_tile_overlayer_lowered:
.L_overlay_start_2:
0x1f6: {  	(tag) =	ssettag $0x2  }
0x1f7: {  	s0 =	rddreg [dreg:$0x0];
	s2 =	stileid.u32  }
0x1f8: {  	s1 =	rddreg [dreg:$0x1];
	p0 =	sne.s32 s2, $0x0  }
0x1f9: {  	s3 =	rddreg [dreg:$0x2];
	[bflag:$0x3] =	sbarrier.arrive $0xFFFF;
	s2 =	simm.s32 @!p0 $0x1C05  }
0x1fa: {  	[timem:s3], [sflag:s2] =	dma.local @!p0 [hbm:s0], s1  }
0x1fb: {  	s0 =	simm.s32 @!p0 $0x5  }
0x1fc: {  	_ =	swait.ge @!p0 [sflag:s0], s1  }
0x1fd: {  	s1 =	ssub.s32 @!p0 $0x0, s1;
	[sflag:s0] =	ssyncset.done @!p0 $0x0  }
0x1fe: {  	[sflag:s0] =	ssyncadd.s32 @!p0 s1  }
0x1ff: {  	[bflag:$0x3] =	sbarrier.arrive $0xFFFF  }
0x200: {  	_ =	shalt  }

</sc_bundles>
